<compile_context>
chip_gen: v7x
topology: tpu7x:2x2x1
jax: 0.10.2.dev20260603
libtpu: 0.0.44.dev20260713+nightly
codegen_flags: <defaults>
</compile_context>

<pallas_src>
import functools

import jax
import jax.numpy as jnp
from jax import lax
from jax.experimental import pallas as pl
from jax.experimental.pallas import tpu as pltpu
from jax.experimental.pallas import tpu_sc as plsc

_NC = 2
_NS = 16
_NW = _NC * _NS
_D = 128
_SEQ = 16384
_BPW = _SEQ // _NW
_CHUNK = 128
_NCHUNK = _BPW // _CHUNK


_STEP = 256
_NSTEP = 3 * _BPW // _STEP
_CPS = _STEP // _CHUNK
_NBUF = 3


def _gather3(idx, w0, w1, w2):
    mesh = plsc.VectorSubcoreMesh(core_axis_name="c", subcore_axis_name="s")
    out = jax.ShapeDtypeStruct((_SEQ, _D), jnp.float32)
    buf_t = pltpu.VMEM((_STEP, _D), jnp.float32)

    @functools.partial(
        pl.kernel,
        out_type=(out,) * 6,
        mesh=mesh,
        scratch_types=[
            pltpu.VMEM((_NCHUNK, _CHUNK), jnp.int32),
            (buf_t,) * _NBUF,
            pltpu.SemaphoreType.DMA,
            pltpu.SemaphoreType.DMA,
        ],
    )
    def k(idx_hbm, w0_hbm, w1_hbm, w2_hbm,
          o0_hbm, o1_hbm, o2_hbm, o3_hbm, o4_hbm, o5_hbm,
          idx_v, bufs, gsem, osem):
        wid = lax.axis_index("s") * _NC + lax.axis_index("c")
        base = wid * _BPW
        pltpu.sync_copy(idx_hbm.at[wid], idx_v)
        outs = ((o0_hbm, o3_hbm), (o1_hbm, o4_hbm), (o2_hbm, o5_hbm))
        tabs = (w0_hbm, w1_hbm, w2_hbm)

        def fire_gather(s):
            t, h = divmod(s, _BPW // _STEP)
            return [
                pltpu.async_copy(
                    tabs[t].at[idx_v.at[h * _CPS + j]],
                    bufs[s % _NBUF].at[pl.ds(j * _CHUNK, _CHUNK)],
                    gsem,
                )
                for j in range(_CPS)
            ]

        def fire_out(s):
            t, h = divmod(s, _BPW // _STEP)
            return [
                pltpu.async_copy(
                    bufs[s % _NBUF],
                    o.at[pl.ds(base + h * _STEP, _STEP)],
                    osem,
                )
                for o in outs[t]
            ]

        gd, od = {}, {}
        for s in range(_NSTEP):
            if s >= _NBUF:
                for d in od[s - _NBUF]:
                    d.wait()
            gd[s] = fire_gather(s)
            if s >= 1:
                for d in gd[s - 1]:
                    d.wait()
                od[s - 1] = fire_out(s - 1)
        for d in gd[_NSTEP - 1]:
            d.wait()
        od[_NSTEP - 1] = fire_out(_NSTEP - 1)
        for s in range(_NSTEP - _NBUF, _NSTEP):
            for d in od[s]:
                d.wait()

    return k(idx, w0, w1, w2)


def kernel(input_seq, W0, W1, W2):
    idx = input_seq.reshape(_NW, _NCHUNK, _CHUNK)
    o0, o1, o2, o3, o4, o5 = _gather3(idx, W0, W1, W2)
    return (o0, o1, o2, o3, o4, o5)

# --- scband reference (transcript-rebuilt; emitter-appended) ---
"""Pipeline reference for scband-value-embedding-39943195852875 (READ-ONLY COPY).

The authoritative reference and input builder live on the scoring server;
editing this copy changes nothing except your own understanding.
"""

import jax, jax.numpy as jnp
import numpy as np

NUM_EMBEDDINGS = 100000
EMBED_DIM = 128
SEQ = 16384

def setup_inputs(seed: int = 0) -> dict:
    key = jax.random.key(seed)
    k1, k2, k3, k4 = jax.random.split(key, 4)
    input_seq = jax.random.randint(k1, (SEQ,), 0, NUM_EMBEDDINGS, dtype=jnp.int32)
    W0 = jax.random.normal(k2, (NUM_EMBEDDINGS, EMBED_DIM), dtype=jnp.float32)
    W1 = jax.random.normal(k3, (NUM_EMBEDDINGS, EMBED_DIM), dtype=jnp.float32)
    W2 = jax.random.normal(k4, (NUM_EMBEDDINGS, EMBED_DIM), dtype=jnp.float32)
    return {"input_seq": input_seq, "W0": W0, "W1": W1, "W2": W2}

def reference(input_seq, W0, W1, W2):
    # ValueEmbedding.forward: three embedding lookups, then the list
    # [ve0, ve1, ve2, None*6, ve0, ve1, ve2]. Nones are omitted; duplicated
    # entries are kept to preserve the output structure faithfully.
    ve0 = jnp.take(W0, input_seq, axis=0)
    ve1 = jnp.take(W1, input_seq, axis=0)
    ve2 = jnp.take(W2, input_seq, axis=0)
    return (ve0, ve1, ve2, ve0, ve1, ve2)

if __name__ == "__main__":
    import jax
    _d = setup_inputs()
    print(jax.jit(kernel)(*tuple(_d.values())))

</pallas_src>

<mosaic_0001>
#map = affine_map<(d0, d1) -> (0, 0, 0)>
#map1 = affine_map<(d0, d1) -> (0, 0)>
module attributes {stable_mosaic.version = 14 : i64} {
  func.func @k(%arg0: i32, %arg1: i32, %arg2: memref<32x4x128xi32, #tpu.memory_space<hbm>>, %arg3: memref<100000x128xf32, #tpu.memory_space<hbm>>, %arg4: memref<100000x128xf32, #tpu.memory_space<hbm>>, %arg5: memref<100000x128xf32, #tpu.memory_space<hbm>>, %arg6: memref<16384x128xf32, #tpu.memory_space<hbm>>, %arg7: memref<16384x128xf32, #tpu.memory_space<hbm>>, %arg8: memref<16384x128xf32, #tpu.memory_space<hbm>>, %arg9: memref<16384x128xf32, #tpu.memory_space<hbm>>, %arg10: memref<16384x128xf32, #tpu.memory_space<hbm>>, %arg11: memref<16384x128xf32, #tpu.memory_space<hbm>>, %arg12: memref<4x128xi32, #tpu.memory_space<vmem>>, %arg13: memref<256x128xf32, #tpu.memory_space<vmem>>, %arg14: memref<256x128xf32, #tpu.memory_space<vmem>>, %arg15: memref<256x128xf32, #tpu.memory_space<vmem>>, %arg16: memref<!tpu.dma_semaphore, #tpu.memory_space<semaphore_mem>>, %arg17: memref<!tpu.dma_semaphore, #tpu.memory_space<semaphore_mem>>) attributes {dimension_semantics = [#tpu.dimension_semantics<core_parallel>, #tpu.dimension_semantics<subcore_parallel>], iteration_bounds = array<i64: 2, 16>, scalar_prefetch = 0 : i64, scratch_operands = 6 : i64, tpu.core_type = #tpu.core_type<sc_vector_subcore>, window_params = [{transform_indices = #map}, {transform_indices = #map1}, {transform_indices = #map1}, {transform_indices = #map1}, {transform_indices = #map1}, {transform_indices = #map1}, {transform_indices = #map1}, {transform_indices = #map1}, {transform_indices = #map1}, {transform_indices = #map1}]} {
    %mul3A = arith.constant 2 : i32
    %mul3A_0 = arith.muli %arg1, %mul3A : i32
    %add3A = arith.addi %mul3A_0, %arg0 : i32
    %mul3A_1 = arith.constant 512 : i32
    %mul3A_2 = arith.muli %add3A, %mul3A_1 : i32
    "tpu.region"() ({
      %run_scoped3A = tpu.sem_alloc : memref<!tpu.dma_semaphore, #tpu.memory_space<semaphore_mem>>
      %dma_start3A_361 = arith.constant 0 : i32
      %dma_start3A_362 = arith.constant 0 : i32
      %dma_start3A_363 = tpu.memref_slice %arg2[%add3A, %dma_start3A_361, %dma_start3A_362] : memref<32x4x128xi32, #tpu.memory_space<hbm>> -> memref<1x4x128xi32, #tpu.memory_space<hbm>>
      %dma_start3A_364 = tpu.memref_squeeze %dma_start3A_363 : memref<1x4x128xi32, #tpu.memory_space<hbm>> -> memref<4x128xi32, #tpu.memory_space<hbm>>
      %dma_start3A_365 = arith.constant 0 : i32
      %dma_start3A_366 = arith.constant 0 : i32
      %dma_start3A_367 = tpu.memref_slice %arg2[%add3A, %dma_start3A_365, %dma_start3A_366] : memref<32x4x128xi32, #tpu.memory_space<hbm>> -> memref<1x4x128xi32, #tpu.memory_space<hbm>>
      %dma_start3A_368 = tpu.memref_squeeze %dma_start3A_367 : memref<1x4x128xi32, #tpu.memory_space<hbm>> -> memref<4x128xi32, #tpu.memory_space<hbm>>
      tpu.enqueue_dma source(%dma_start3A_368 : memref<4x128xi32, #tpu.memory_space<hbm>>) target(%arg12 : memref<4x128xi32, #tpu.memory_space<vmem>>) target_semaphore(%run_scoped3A : memref<!tpu.dma_semaphore, #tpu.memory_space<semaphore_mem>>)
      %dma_wait3A_369 = arith.constant 0 : i32
      %dma_wait3A_370 = arith.constant 0 : i32
      %dma_wait3A_371 = tpu.memref_slice %arg2[%add3A, %dma_wait3A_369, %dma_wait3A_370] : memref<32x4x128xi32, #tpu.memory_space<hbm>> -> memref<1x4x128xi32, #tpu.memory_space<hbm>>
      %dma_wait3A_372 = tpu.memref_squeeze %dma_wait3A_371 : memref<1x4x128xi32, #tpu.memory_space<hbm>> -> memref<4x128xi32, #tpu.memory_space<hbm>>
      %dma_wait3A_373 = arith.constant 0 : i32
      %dma_wait3A_374 = arith.constant 0 : i32
      %dma_wait3A_375 = tpu.memref_slice %arg2[%add3A, %dma_wait3A_373, %dma_wait3A_374] : memref<32x4x128xi32, #tpu.memory_space<hbm>> -> memref<1x4x128xi32, #tpu.memory_space<hbm>>
      %dma_wait3A_376 = tpu.memref_squeeze %dma_wait3A_375 : memref<1x4x128xi32, #tpu.memory_space<hbm>> -> memref<4x128xi32, #tpu.memory_space<hbm>>
      tpu.wait_dma2 semaphore(%run_scoped3A : memref<!tpu.dma_semaphore, #tpu.memory_space<semaphore_mem>>) src(%dma_wait3A_376 : memref<4x128xi32, #tpu.memory_space<hbm>>) dst(%arg12 : memref<4x128xi32, #tpu.memory_space<vmem>>)
      tpu.yield
    }) : () -> ()
    %dma_start3A = arith.constant 0 : i32
    %dma_start3A_3 = arith.constant 0 : i32
    %dma_start3A_4 = arith.constant 0 : i32
    %dma_start3A_5 = tpu.memref_slice %arg13[%dma_start3A_3, %dma_start3A_4] : memref<256x128xf32, #tpu.memory_space<vmem>> -> memref<128x128xf32, #tpu.memory_space<vmem>>
    %dma_start3A_6 = arith.constant 0 : i32
    %dma_start3A_7 = tpu.memref_slice %arg12[%dma_start3A, %dma_start3A_6] : memref<4x128xi32, #tpu.memory_space<vmem>> -> memref<1x128xi32, #tpu.memory_space<vmem>>
    %dma_start3A_8 = tpu.memref_squeeze %dma_start3A_7 : memref<1x128xi32, #tpu.memory_space<vmem>> -> memref<128xi32, #tpu.memory_space<vmem>>
    %dma_start3A_9 = arith.constant 0 : i32
    %dma_start3A_10 = arith.constant 0 : i32
    %dma_start3A_11 = tpu.memref_slice %arg3[%dma_start3A_9, %dma_start3A_10] : memref<100000x128xf32, #tpu.memory_space<hbm>> -> memref<100000x128xf32, #tpu.memory_space<hbm>>
    tpu.enqueue_indirect_dma source(%dma_start3A_11 : memref<100000x128xf32, #tpu.memory_space<hbm>>) target(%dma_start3A_5 : memref<128x128xf32, #tpu.memory_space<vmem>>) offsets(%dma_start3A_8 : memref<128xi32, #tpu.memory_space<vmem>>) semaphore(%arg16 : memref<!tpu.dma_semaphore, #tpu.memory_space<semaphore_mem>>)
    %dma_start3A_12 = arith.constant 1 : i32
    %dma_start3A_13 = arith.constant 128 : i32
    %dma_start3A_14 = arith.constant 0 : i32
    %dma_start3A_15 = tpu.memref_slice %arg13[%dma_start3A_13, %dma_start3A_14] : memref<256x128xf32, #tpu.memory_space<vmem>> -> memref<128x128xf32, #tpu.memory_space<vmem>>
    %dma_start3A_16 = arith.constant 0 : i32
    %dma_start3A_17 = tpu.memref_slice %arg12[%dma_start3A_12, %dma_start3A_16] : memref<4x128xi32, #tpu.memory_space<vmem>> -> memref<1x128xi32, #tpu.memory_space<vmem>>
    %dma_start3A_18 = tpu.memref_squeeze %dma_start3A_17 : memref<1x128xi32, #tpu.memory_space<vmem>> -> memref<128xi32, #tpu.memory_space<vmem>>
    %dma_start3A_19 = arith.constant 0 : i32
    %dma_start3A_20 = arith.constant 0 : i32
    %dma_start3A_21 = tpu.memref_slice %arg3[%dma_start3A_19, %dma_start3A_20] : memref<100000x128xf32, #tpu.memory_space<hbm>> -> memref<100000x128xf32, #tpu.memory_space<hbm>>
    tpu.enqueue_indirect_dma source(%dma_start3A_21 : memref<100000x128xf32, #tpu.memory_space<hbm>>) target(%dma_start3A_15 : memref<128x128xf32, #tpu.memory_space<vmem>>) offsets(%dma_start3A_18 : memref<128xi32, #tpu.memory_space<vmem>>) semaphore(%arg16 : memref<!tpu.dma_semaphore, #tpu.memory_space<semaphore_mem>>)
    %dma_start3A_22 = arith.constant 2 : i32
    %dma_start3A_23 = arith.constant 0 : i32
    %dma_start3A_24 = arith.constant 0 : i32
    %dma_start3A_25 = tpu.memref_slice %arg14[%dma_start3A_23, %dma_start3A_24] : memref<256x128xf32, #tpu.memory_space<vmem>> -> memref<128x128xf32, #tpu.memory_space<vmem>>
    %dma_start3A_26 = arith.constant 0 : i32
    %dma_start3A_27 = tpu.memref_slice %arg12[%dma_start3A_22, %dma_start3A_26] : memref<4x128xi32, #tpu.memory_space<vmem>> -> memref<1x128xi32, #tpu.memory_space<vmem>>
    %dma_start3A_28 = tpu.memref_squeeze %dma_start3A_27 : memref<1x128xi32, #tpu.memory_space<vmem>> -> memref<128xi32, #tpu.memory_space<vmem>>
    %dma_start3A_29 = arith.constant 0 : i32
    %dma_start3A_30 = arith.constant 0 : i32
    %dma_start3A_31 = tpu.memref_slice %arg3[%dma_start3A_29, %dma_start3A_30] : memref<100000x128xf32, #tpu.memory_space<hbm>> -> memref<100000x128xf32, #tpu.memory_space<hbm>>
    tpu.enqueue_indirect_dma source(%dma_start3A_31 : memref<100000x128xf32, #tpu.memory_space<hbm>>) target(%dma_start3A_25 : memref<128x128xf32, #tpu.memory_space<vmem>>) offsets(%dma_start3A_28 : memref<128xi32, #tpu.memory_space<vmem>>) semaphore(%arg16 : memref<!tpu.dma_semaphore, #tpu.memory_space<semaphore_mem>>)
    %dma_start3A_32 = arith.constant 3 : i32
    %dma_start3A_33 = arith.constant 128 : i32
    %dma_start3A_34 = arith.constant 0 : i32
    %dma_start3A_35 = tpu.memref_slice %arg14[%dma_start3A_33, %dma_start3A_34] : memref<256x128xf32, #tpu.memory_space<vmem>> -> memref<128x128xf32, #tpu.memory_space<vmem>>
    %dma_start3A_36 = arith.constant 0 : i32
    %dma_start3A_37 = tpu.memref_slice %arg12[%dma_start3A_32, %dma_start3A_36] : memref<4x128xi32, #tpu.memory_space<vmem>> -> memref<1x128xi32, #tpu.memory_space<vmem>>
    %dma_start3A_38 = tpu.memref_squeeze %dma_start3A_37 : memref<1x128xi32, #tpu.memory_space<vmem>> -> memref<128xi32, #tpu.memory_space<vmem>>
    %dma_start3A_39 = arith.constant 0 : i32
    %dma_start3A_40 = arith.constant 0 : i32
    %dma_start3A_41 = tpu.memref_slice %arg3[%dma_start3A_39, %dma_start3A_40] : memref<100000x128xf32, #tpu.memory_space<hbm>> -> memref<100000x128xf32, #tpu.memory_space<hbm>>
    tpu.enqueue_indirect_dma source(%dma_start3A_41 : memref<100000x128xf32, #tpu.memory_space<hbm>>) target(%dma_start3A_35 : memref<128x128xf32, #tpu.memory_space<vmem>>) offsets(%dma_start3A_38 : memref<128xi32, #tpu.memory_space<vmem>>) semaphore(%arg16 : memref<!tpu.dma_semaphore, #tpu.memory_space<semaphore_mem>>)
    %dma_wait3A = arith.constant 0 : i32
    %dma_wait3A_42 = arith.constant 0 : i32
    %dma_wait3A_43 = arith.constant 0 : i32
    %dma_wait3A_44 = tpu.memref_slice %arg13[%dma_wait3A_42, %dma_wait3A_43] : memref<256x128xf32, #tpu.memory_space<vmem>> -> memref<128x128xf32, #tpu.memory_space<vmem>>
    %dma_wait3A_45 = arith.constant 0 : i32
    %dma_wait3A_46 = tpu.memref_slice %arg12[%dma_wait3A, %dma_wait3A_45] : memref<4x128xi32, #tpu.memory_space<vmem>> -> memref<1x128xi32, #tpu.memory_space<vmem>>
    %dma_wait3A_47 = tpu.memref_squeeze %dma_wait3A_46 : memref<1x128xi32, #tpu.memory_space<vmem>> -> memref<128xi32, #tpu.memory_space<vmem>>
    %dma_wait3A_48 = arith.constant 0 : i32
    %dma_wait3A_49 = arith.constant 0 : i32
    %dma_wait3A_50 = tpu.memref_slice %arg3[%dma_wait3A_48, %dma_wait3A_49] : memref<100000x128xf32, #tpu.memory_space<hbm>> -> memref<100000x128xf32, #tpu.memory_space<hbm>>
    tpu.wait_indirect_dma semaphore(%arg16 : memref<!tpu.dma_semaphore, #tpu.memory_space<semaphore_mem>>) src(%dma_wait3A_50 : memref<100000x128xf32, #tpu.memory_space<hbm>>) dst(%dma_wait3A_44 : memref<128x128xf32, #tpu.memory_space<vmem>>)
    %dma_wait3A_51 = arith.constant 1 : i32
    %dma_wait3A_52 = arith.constant 128 : i32
    %dma_wait3A_53 = arith.constant 0 : i32
    %dma_wait3A_54 = tpu.memref_slice %arg13[%dma_wait3A_52, %dma_wait3A_53] : memref<256x128xf32, #tpu.memory_space<vmem>> -> memref<128x128xf32, #tpu.memory_space<vmem>>
    %dma_wait3A_55 = arith.constant 0 : i32
    %dma_wait3A_56 = tpu.memref_slice %arg12[%dma_wait3A_51, %dma_wait3A_55] : memref<4x128xi32, #tpu.memory_space<vmem>> -> memref<1x128xi32, #tpu.memory_space<vmem>>
    %dma_wait3A_57 = tpu.memref_squeeze %dma_wait3A_56 : memref<1x128xi32, #tpu.memory_space<vmem>> -> memref<128xi32, #tpu.memory_space<vmem>>
    %dma_wait3A_58 = arith.constant 0 : i32
    %dma_wait3A_59 = arith.constant 0 : i32
    %dma_wait3A_60 = tpu.memref_slice %arg3[%dma_wait3A_58, %dma_wait3A_59] : memref<100000x128xf32, #tpu.memory_space<hbm>> -> memref<100000x128xf32, #tpu.memory_space<hbm>>
    tpu.wait_indirect_dma semaphore(%arg16 : memref<!tpu.dma_semaphore, #tpu.memory_space<semaphore_mem>>) src(%dma_wait3A_60 : memref<100000x128xf32, #tpu.memory_space<hbm>>) dst(%dma_wait3A_54 : memref<128x128xf32, #tpu.memory_space<vmem>>)
    %add3A_61 = arith.constant 0 : i32
    %add3A_62 = arith.addi %mul3A_2, %add3A_61 : i32
    %dma_start3A_63 = arith.constant 0 : i32
    %dma_start3A_64 = tpu.memref_slice %arg6[%add3A_62, %dma_start3A_63] : memref<16384x128xf32, #tpu.memory_space<hbm>> -> memref<256x128xf32, #tpu.memory_space<hbm>>
    %dma_start3A_65 = arith.constant 0 : i32
    %dma_start3A_66 = tpu.memref_slice %arg6[%add3A_62, %dma_start3A_65] : memref<16384x128xf32, #tpu.memory_space<hbm>> -> memref<256x128xf32, #tpu.memory_space<hbm>>
    tpu.enqueue_dma source(%arg13 : memref<256x128xf32, #tpu.memory_space<vmem>>) target(%dma_start3A_66 : memref<256x128xf32, #tpu.memory_space<hbm>>) target_semaphore(%arg17 : memref<!tpu.dma_semaphore, #tpu.memory_space<semaphore_mem>>)
    %add3A_67 = arith.constant 0 : i32
    %add3A_68 = arith.addi %mul3A_2, %add3A_67 : i32
    %dma_start3A_69 = arith.constant 0 : i32
    %dma_start3A_70 = tpu.memref_slice %arg9[%add3A_68, %dma_start3A_69] : memref<16384x128xf32, #tpu.memory_space<hbm>> -> memref<256x128xf32, #tpu.memory_space<hbm>>
    %dma_start3A_71 = arith.constant 0 : i32
    %dma_start3A_72 = tpu.memref_slice %arg9[%add3A_68, %dma_start3A_71] : memref<16384x128xf32, #tpu.memory_space<hbm>> -> memref<256x128xf32, #tpu.memory_space<hbm>>
    tpu.enqueue_dma source(%arg13 : memref<256x128xf32, #tpu.memory_space<vmem>>) target(%dma_start3A_72 : memref<256x128xf32, #tpu.memory_space<hbm>>) target_semaphore(%arg17 : memref<!tpu.dma_semaphore, #tpu.memory_space<semaphore_mem>>)
    %dma_start3A_73 = arith.constant 0 : i32
    %dma_start3A_74 = arith.constant 0 : i32
    %dma_start3A_75 = arith.constant 0 : i32
    %dma_start3A_76 = tpu.memref_slice %arg15[%dma_start3A_74, %dma_start3A_75] : memref<256x128xf32, #tpu.memory_space<vmem>> -> memref<128x128xf32, #tpu.memory_space<vmem>>
    %dma_start3A_77 = arith.constant 0 : i32
    %dma_start3A_78 = tpu.memref_slice %arg12[%dma_start3A_73, %dma_start3A_77] : memref<4x128xi32, #tpu.memory_space<vmem>> -> memref<1x128xi32, #tpu.memory_space<vmem>>
    %dma_start3A_79 = tpu.memref_squeeze %dma_start3A_78 : memref<1x128xi32, #tpu.memory_space<vmem>> -> memref<128xi32, #tpu.memory_space<vmem>>
    %dma_start3A_80 = arith.constant 0 : i32
    %dma_start3A_81 = arith.constant 0 : i32
    %dma_start3A_82 = tpu.memref_slice %arg4[%dma_start3A_80, %dma_start3A_81] : memref<100000x128xf32, #tpu.memory_space<hbm>> -> memref<100000x128xf32, #tpu.memory_space<hbm>>
    tpu.enqueue_indirect_dma source(%dma_start3A_82 : memref<100000x128xf32, #tpu.memory_space<hbm>>) target(%dma_start3A_76 : memref<128x128xf32, #tpu.memory_space<vmem>>) offsets(%dma_start3A_79 : memref<128xi32, #tpu.memory_space<vmem>>) semaphore(%arg16 : memref<!tpu.dma_semaphore, #tpu.memory_space<semaphore_mem>>)
    %dma_start3A_83 = arith.constant 1 : i32
    %dma_start3A_84 = arith.constant 128 : i32
    %dma_start3A_85 = arith.constant 0 : i32
    %dma_start3A_86 = tpu.memref_slice %arg15[%dma_start3A_84, %dma_start3A_85] : memref<256x128xf32, #tpu.memory_space<vmem>> -> memref<128x128xf32, #tpu.memory_space<vmem>>
    %dma_start3A_87 = arith.constant 0 : i32
    %dma_start3A_88 = tpu.memref_slice %arg12[%dma_start3A_83, %dma_start3A_87] : memref<4x128xi32, #tpu.memory_space<vmem>> -> memref<1x128xi32, #tpu.memory_space<vmem>>
    %dma_start3A_89 = tpu.memref_squeeze %dma_start3A_88 : memref<1x128xi32, #tpu.memory_space<vmem>> -> memref<128xi32, #tpu.memory_space<vmem>>
    %dma_start3A_90 = arith.constant 0 : i32
    %dma_start3A_91 = arith.constant 0 : i32
    %dma_start3A_92 = tpu.memref_slice %arg4[%dma_start3A_90, %dma_start3A_91] : memref<100000x128xf32, #tpu.memory_space<hbm>> -> memref<100000x128xf32, #tpu.memory_space<hbm>>
    tpu.enqueue_indirect_dma source(%dma_start3A_92 : memref<100000x128xf32, #tpu.memory_space<hbm>>) target(%dma_start3A_86 : memref<128x128xf32, #tpu.memory_space<vmem>>) offsets(%dma_start3A_89 : memref<128xi32, #tpu.memory_space<vmem>>) semaphore(%arg16 : memref<!tpu.dma_semaphore, #tpu.memory_space<semaphore_mem>>)
    %dma_wait3A_93 = arith.constant 2 : i32
    %dma_wait3A_94 = arith.constant 0 : i32
    %dma_wait3A_95 = arith.constant 0 : i32
    %dma_wait3A_96 = tpu.memref_slice %arg14[%dma_wait3A_94, %dma_wait3A_95] : memref<256x128xf32, #tpu.memory_space<vmem>> -> memref<128x128xf32, #tpu.memory_space<vmem>>
    %dma_wait3A_97 = arith.constant 0 : i32
    %dma_wait3A_98 = tpu.memref_slice %arg12[%dma_wait3A_93, %dma_wait3A_97] : memref<4x128xi32, #tpu.memory_space<vmem>> -> memref<1x128xi32, #tpu.memory_space<vmem>>
    %dma_wait3A_99 = tpu.memref_squeeze %dma_wait3A_98 : memref<1x128xi32, #tpu.memory_space<vmem>> -> memref<128xi32, #tpu.memory_space<vmem>>
    %dma_wait3A_100 = arith.constant 0 : i32
    %dma_wait3A_101 = arith.constant 0 : i32
    %dma_wait3A_102 = tpu.memref_slice %arg3[%dma_wait3A_100, %dma_wait3A_101] : memref<100000x128xf32, #tpu.memory_space<hbm>> -> memref<100000x128xf32, #tpu.memory_space<hbm>>
    tpu.wait_indirect_dma semaphore(%arg16 : memref<!tpu.dma_semaphore, #tpu.memory_space<semaphore_mem>>) src(%dma_wait3A_102 : memref<100000x128xf32, #tpu.memory_space<hbm>>) dst(%dma_wait3A_96 : memref<128x128xf32, #tpu.memory_space<vmem>>)
    %dma_wait3A_103 = arith.constant 3 : i32
    %dma_wait3A_104 = arith.constant 128 : i32
    %dma_wait3A_105 = arith.constant 0 : i32
    %dma_wait3A_106 = tpu.memref_slice %arg14[%dma_wait3A_104, %dma_wait3A_105] : memref<256x128xf32, #tpu.memory_space<vmem>> -> memref<128x128xf32, #tpu.memory_space<vmem>>
    %dma_wait3A_107 = arith.constant 0 : i32
    %dma_wait3A_108 = tpu.memref_slice %arg12[%dma_wait3A_103, %dma_wait3A_107] : memref<4x128xi32, #tpu.memory_space<vmem>> -> memref<1x128xi32, #tpu.memory_space<vmem>>
    %dma_wait3A_109 = tpu.memref_squeeze %dma_wait3A_108 : memref<1x128xi32, #tpu.memory_space<vmem>> -> memref<128xi32, #tpu.memory_space<vmem>>
    %dma_wait3A_110 = arith.constant 0 : i32
    %dma_wait3A_111 = arith.constant 0 : i32
    %dma_wait3A_112 = tpu.memref_slice %arg3[%dma_wait3A_110, %dma_wait3A_111] : memref<100000x128xf32, #tpu.memory_space<hbm>> -> memref<100000x128xf32, #tpu.memory_space<hbm>>
    tpu.wait_indirect_dma semaphore(%arg16 : memref<!tpu.dma_semaphore, #tpu.memory_space<semaphore_mem>>) src(%dma_wait3A_112 : memref<100000x128xf32, #tpu.memory_space<hbm>>) dst(%dma_wait3A_106 : memref<128x128xf32, #tpu.memory_space<vmem>>)
    %add3A_113 = arith.constant 256 : i32
    %add3A_114 = arith.addi %mul3A_2, %add3A_113 : i32
    %dma_start3A_115 = arith.constant 0 : i32
    %dma_start3A_116 = tpu.memref_slice %arg6[%add3A_114, %dma_start3A_115] : memref<16384x128xf32, #tpu.memory_space<hbm>> -> memref<256x128xf32, #tpu.memory_space<hbm>>
    %dma_start3A_117 = arith.constant 0 : i32
    %dma_start3A_118 = tpu.memref_slice %arg6[%add3A_114, %dma_start3A_117] : memref<16384x128xf32, #tpu.memory_space<hbm>> -> memref<256x128xf32, #tpu.memory_space<hbm>>
    tpu.enqueue_dma source(%arg14 : memref<256x128xf32, #tpu.memory_space<vmem>>) target(%dma_start3A_118 : memref<256x128xf32, #tpu.memory_space<hbm>>) target_semaphore(%arg17 : memref<!tpu.dma_semaphore, #tpu.memory_space<semaphore_mem>>)
    %add3A_119 = arith.constant 256 : i32
    %add3A_120 = arith.addi %mul3A_2, %add3A_119 : i32
    %dma_start3A_121 = arith.constant 0 : i32
    %dma_start3A_122 = tpu.memref_slice %arg9[%add3A_120, %dma_start3A_121] : memref<16384x128xf32, #tpu.memory_space<hbm>> -> memref<256x128xf32, #tpu.memory_space<hbm>>
    %dma_start3A_123 = arith.constant 0 : i32
    %dma_start3A_124 = tpu.memref_slice %arg9[%add3A_120, %dma_start3A_123] : memref<16384x128xf32, #tpu.memory_space<hbm>> -> memref<256x128xf32, #tpu.memory_space<hbm>>
    tpu.enqueue_dma source(%arg14 : memref<256x128xf32, #tpu.memory_space<vmem>>) target(%dma_start3A_124 : memref<256x128xf32, #tpu.memory_space<hbm>>) target_semaphore(%arg17 : memref<!tpu.dma_semaphore, #tpu.memory_space<semaphore_mem>>)
    %dma_wait3A_125 = arith.constant 0 : i32
    %dma_wait3A_126 = tpu.memref_slice %arg6[%add3A_62, %dma_wait3A_125] : memref<16384x128xf32, #tpu.memory_space<hbm>> -> memref<256x128xf32, #tpu.memory_space<hbm>>
    %dma_wait3A_127 = arith.constant 0 : i32
    %dma_wait3A_128 = tpu.memref_slice %arg6[%add3A_62, %dma_wait3A_127] : memref<16384x128xf32, #tpu.memory_space<hbm>> -> memref<256x128xf32, #tpu.memory_space<hbm>>
    tpu.wait_dma2 semaphore(%arg17 : memref<!tpu.dma_semaphore, #tpu.memory_space<semaphore_mem>>) src(%arg13 : memref<256x128xf32, #tpu.memory_space<vmem>>) dst(%dma_wait3A_128 : memref<256x128xf32, #tpu.memory_space<hbm>>)
    %dma_wait3A_129 = arith.constant 0 : i32
    %dma_wait3A_130 = tpu.memref_slice %arg9[%add3A_68, %dma_wait3A_129] : memref<16384x128xf32, #tpu.memory_space<hbm>> -> memref<256x128xf32, #tpu.memory_space<hbm>>
    %dma_wait3A_131 = arith.constant 0 : i32
    %dma_wait3A_132 = tpu.memref_slice %arg9[%add3A_68, %dma_wait3A_131] : memref<16384x128xf32, #tpu.memory_space<hbm>> -> memref<256x128xf32, #tpu.memory_space<hbm>>
    tpu.wait_dma2 semaphore(%arg17 : memref<!tpu.dma_semaphore, #tpu.memory_space<semaphore_mem>>) src(%arg13 : memref<256x128xf32, #tpu.memory_space<vmem>>) dst(%dma_wait3A_132 : memref<256x128xf32, #tpu.memory_space<hbm>>)
    %dma_start3A_133 = arith.constant 2 : i32
    %dma_start3A_134 = arith.constant 0 : i32
    %dma_start3A_135 = arith.constant 0 : i32
    %dma_start3A_136 = tpu.memref_slice %arg13[%dma_start3A_134, %dma_start3A_135] : memref<256x128xf32, #tpu.memory_space<vmem>> -> memref<128x128xf32, #tpu.memory_space<vmem>>
    %dma_start3A_137 = arith.constant 0 : i32
    %dma_start3A_138 = tpu.memref_slice %arg12[%dma_start3A_133, %dma_start3A_137] : memref<4x128xi32, #tpu.memory_space<vmem>> -> memref<1x128xi32, #tpu.memory_space<vmem>>
    %dma_start3A_139 = tpu.memref_squeeze %dma_start3A_138 : memref<1x128xi32, #tpu.memory_space<vmem>> -> memref<128xi32, #tpu.memory_space<vmem>>
    %dma_start3A_140 = arith.constant 0 : i32
    %dma_start3A_141 = arith.constant 0 : i32
    %dma_start3A_142 = tpu.memref_slice %arg4[%dma_start3A_140, %dma_start3A_141] : memref<100000x128xf32, #tpu.memory_space<hbm>> -> memref<100000x128xf32, #tpu.memory_space<hbm>>
    tpu.enqueue_indirect_dma source(%dma_start3A_142 : memref<100000x128xf32, #tpu.memory_space<hbm>>) target(%dma_start3A_136 : memref<128x128xf32, #tpu.memory_space<vmem>>) offsets(%dma_start3A_139 : memref<128xi32, #tpu.memory_space<vmem>>) semaphore(%arg16 : memref<!tpu.dma_semaphore, #tpu.memory_space<semaphore_mem>>)
    %dma_start3A_143 = arith.constant 3 : i32
    %dma_start3A_144 = arith.constant 128 : i32
    %dma_start3A_145 = arith.constant 0 : i32
    %dma_start3A_146 = tpu.memref_slice %arg13[%dma_start3A_144, %dma_start3A_145] : memref<256x128xf32, #tpu.memory_space<vmem>> -> memref<128x128xf32, #tpu.memory_space<vmem>>
    %dma_start3A_147 = arith.constant 0 : i32
    %dma_start3A_148 = tpu.memref_slice %arg12[%dma_start3A_143, %dma_start3A_147] : memref<4x128xi32, #tpu.memory_space<vmem>> -> memref<1x128xi32, #tpu.memory_space<vmem>>
    %dma_start3A_149 = tpu.memref_squeeze %dma_start3A_148 : memref<1x128xi32, #tpu.memory_space<vmem>> -> memref<128xi32, #tpu.memory_space<vmem>>
    %dma_start3A_150 = arith.constant 0 : i32
    %dma_start3A_151 = arith.constant 0 : i32
    %dma_start3A_152 = tpu.memref_slice %arg4[%dma_start3A_150, %dma_start3A_151] : memref<100000x128xf32, #tpu.memory_space<hbm>> -> memref<100000x128xf32, #tpu.memory_space<hbm>>
    tpu.enqueue_indirect_dma source(%dma_start3A_152 : memref<100000x128xf32, #tpu.memory_space<hbm>>) target(%dma_start3A_146 : memref<128x128xf32, #tpu.memory_space<vmem>>) offsets(%dma_start3A_149 : memref<128xi32, #tpu.memory_space<vmem>>) semaphore(%arg16 : memref<!tpu.dma_semaphore, #tpu.memory_space<semaphore_mem>>)
    %dma_wait3A_153 = arith.constant 0 : i32
    %dma_wait3A_154 = arith.constant 0 : i32
    %dma_wait3A_155 = arith.constant 0 : i32
    %dma_wait3A_156 = tpu.memref_slice %arg15[%dma_wait3A_154, %dma_wait3A_155] : memref<256x128xf32, #tpu.memory_space<vmem>> -> memref<128x128xf32, #tpu.memory_space<vmem>>
    %dma_wait3A_157 = arith.constant 0 : i32
    %dma_wait3A_158 = tpu.memref_slice %arg12[%dma_wait3A_153, %dma_wait3A_157] : memref<4x128xi32, #tpu.memory_space<vmem>> -> memref<1x128xi32, #tpu.memory_space<vmem>>
    %dma_wait3A_159 = tpu.memref_squeeze %dma_wait3A_158 : memref<1x128xi32, #tpu.memory_space<vmem>> -> memref<128xi32, #tpu.memory_space<vmem>>
    %dma_wait3A_160 = arith.constant 0 : i32
    %dma_wait3A_161 = arith.constant 0 : i32
    %dma_wait3A_162 = tpu.memref_slice %arg4[%dma_wait3A_160, %dma_wait3A_161] : memref<100000x128xf32, #tpu.memory_space<hbm>> -> memref<100000x128xf32, #tpu.memory_space<hbm>>
    tpu.wait_indirect_dma semaphore(%arg16 : memref<!tpu.dma_semaphore, #tpu.memory_space<semaphore_mem>>) src(%dma_wait3A_162 : memref<100000x128xf32, #tpu.memory_space<hbm>>) dst(%dma_wait3A_156 : memref<128x128xf32, #tpu.memory_space<vmem>>)
    %dma_wait3A_163 = arith.constant 1 : i32
    %dma_wait3A_164 = arith.constant 128 : i32
    %dma_wait3A_165 = arith.constant 0 : i32
    %dma_wait3A_166 = tpu.memref_slice %arg15[%dma_wait3A_164, %dma_wait3A_165] : memref<256x128xf32, #tpu.memory_space<vmem>> -> memref<128x128xf32, #tpu.memory_space<vmem>>
    %dma_wait3A_167 = arith.constant 0 : i32
    %dma_wait3A_168 = tpu.memref_slice %arg12[%dma_wait3A_163, %dma_wait3A_167] : memref<4x128xi32, #tpu.memory_space<vmem>> -> memref<1x128xi32, #tpu.memory_space<vmem>>
    %dma_wait3A_169 = tpu.memref_squeeze %dma_wait3A_168 : memref<1x128xi32, #tpu.memory_space<vmem>> -> memref<128xi32, #tpu.memory_space<vmem>>
    %dma_wait3A_170 = arith.constant 0 : i32
    %dma_wait3A_171 = arith.constant 0 : i32
    %dma_wait3A_172 = tpu.memref_slice %arg4[%dma_wait3A_170, %dma_wait3A_171] : memref<100000x128xf32, #tpu.memory_space<hbm>> -> memref<100000x128xf32, #tpu.memory_space<hbm>>
    tpu.wait_indirect_dma semaphore(%arg16 : memref<!tpu.dma_semaphore, #tpu.memory_space<semaphore_mem>>) src(%dma_wait3A_172 : memref<100000x128xf32, #tpu.memory_space<hbm>>) dst(%dma_wait3A_166 : memref<128x128xf32, #tpu.memory_space<vmem>>)
    %add3A_173 = arith.constant 0 : i32
    %add3A_174 = arith.addi %mul3A_2, %add3A_173 : i32
    %dma_start3A_175 = arith.constant 0 : i32
    %dma_start3A_176 = tpu.memref_slice %arg7[%add3A_174, %dma_start3A_175] : memref<16384x128xf32, #tpu.memory_space<hbm>> -> memref<256x128xf32, #tpu.memory_space<hbm>>
    %dma_start3A_177 = arith.constant 0 : i32
    %dma_start3A_178 = tpu.memref_slice %arg7[%add3A_174, %dma_start3A_177] : memref<16384x128xf32, #tpu.memory_space<hbm>> -> memref<256x128xf32, #tpu.memory_space<hbm>>
    tpu.enqueue_dma source(%arg15 : memref<256x128xf32, #tpu.memory_space<vmem>>) target(%dma_start3A_178 : memref<256x128xf32, #tpu.memory_space<hbm>>) target_semaphore(%arg17 : memref<!tpu.dma_semaphore, #tpu.memory_space<semaphore_mem>>)
    %add3A_179 = arith.constant 0 : i32
    %add3A_180 = arith.addi %mul3A_2, %add3A_179 : i32
    %dma_start3A_181 = arith.constant 0 : i32
    %dma_start3A_182 = tpu.memref_slice %arg10[%add3A_180, %dma_start3A_181] : memref<16384x128xf32, #tpu.memory_space<hbm>> -> memref<256x128xf32, #tpu.memory_space<hbm>>
    %dma_start3A_183 = arith.constant 0 : i32
    %dma_start3A_184 = tpu.memref_slice %arg10[%add3A_180, %dma_start3A_183] : memref<16384x128xf32, #tpu.memory_space<hbm>> -> memref<256x128xf32, #tpu.memory_space<hbm>>
    tpu.enqueue_dma source(%arg15 : memref<256x128xf32, #tpu.memory_space<vmem>>) target(%dma_start3A_184 : memref<256x128xf32, #tpu.memory_space<hbm>>) target_semaphore(%arg17 : memref<!tpu.dma_semaphore, #tpu.memory_space<semaphore_mem>>)
    %dma_wait3A_185 = arith.constant 0 : i32
    %dma_wait3A_186 = tpu.memref_slice %arg6[%add3A_114, %dma_wait3A_185] : memref<16384x128xf32, #tpu.memory_space<hbm>> -> memref<256x128xf32, #tpu.memory_space<hbm>>
    %dma_wait3A_187 = arith.constant 0 : i32
    %dma_wait3A_188 = tpu.memref_slice %arg6[%add3A_114, %dma_wait3A_187] : memref<16384x128xf32, #tpu.memory_space<hbm>> -> memref<256x128xf32, #tpu.memory_space<hbm>>
    tpu.wait_dma2 semaphore(%arg17 : memref<!tpu.dma_semaphore, #tpu.memory_space<semaphore_mem>>) src(%arg14 : memref<256x128xf32, #tpu.memory_space<vmem>>) dst(%dma_wait3A_188 : memref<256x128xf32, #tpu.memory_space<hbm>>)
    %dma_wait3A_189 = arith.constant 0 : i32
    %dma_wait3A_190 = tpu.memref_slice %arg9[%add3A_120, %dma_wait3A_189] : memref<16384x128xf32, #tpu.memory_space<hbm>> -> memref<256x128xf32, #tpu.memory_space<hbm>>
    %dma_wait3A_191 = arith.constant 0 : i32
    %dma_wait3A_192 = tpu.memref_slice %arg9[%add3A_120, %dma_wait3A_191] : memref<16384x128xf32, #tpu.memory_space<hbm>> -> memref<256x128xf32, #tpu.memory_space<hbm>>
    tpu.wait_dma2 semaphore(%arg17 : memref<!tpu.dma_semaphore, #tpu.memory_space<semaphore_mem>>) src(%arg14 : memref<256x128xf32, #tpu.memory_space<vmem>>) dst(%dma_wait3A_192 : memref<256x128xf32, #tpu.memory_space<hbm>>)
    %dma_start3A_193 = arith.constant 0 : i32
    %dma_start3A_194 = arith.constant 0 : i32
    %dma_start3A_195 = arith.constant 0 : i32
    %dma_start3A_196 = tpu.memref_slice %arg14[%dma_start3A_194, %dma_start3A_195] : memref<256x128xf32, #tpu.memory_space<vmem>> -> memref<128x128xf32, #tpu.memory_space<vmem>>
    %dma_start3A_197 = arith.constant 0 : i32
    %dma_start3A_198 = tpu.memref_slice %arg12[%dma_start3A_193, %dma_start3A_197] : memref<4x128xi32, #tpu.memory_space<vmem>> -> memref<1x128xi32, #tpu.memory_space<vmem>>
    %dma_start3A_199 = tpu.memref_squeeze %dma_start3A_198 : memref<1x128xi32, #tpu.memory_space<vmem>> -> memref<128xi32, #tpu.memory_space<vmem>>
    %dma_start3A_200 = arith.constant 0 : i32
    %dma_start3A_201 = arith.constant 0 : i32
    %dma_start3A_202 = tpu.memref_slice %arg5[%dma_start3A_200, %dma_start3A_201] : memref<100000x128xf32, #tpu.memory_space<hbm>> -> memref<100000x128xf32, #tpu.memory_space<hbm>>
    tpu.enqueue_indirect_dma source(%dma_start3A_202 : memref<100000x128xf32, #tpu.memory_space<hbm>>) target(%dma_start3A_196 : memref<128x128xf32, #tpu.memory_space<vmem>>) offsets(%dma_start3A_199 : memref<128xi32, #tpu.memory_space<vmem>>) semaphore(%arg16 : memref<!tpu.dma_semaphore, #tpu.memory_space<semaphore_mem>>)
    %dma_start3A_203 = arith.constant 1 : i32
    %dma_start3A_204 = arith.constant 128 : i32
    %dma_start3A_205 = arith.constant 0 : i32
    %dma_start3A_206 = tpu.memref_slice %arg14[%dma_start3A_204, %dma_start3A_205] : memref<256x128xf32, #tpu.memory_space<vmem>> -> memref<128x128xf32, #tpu.memory_space<vmem>>
    %dma_start3A_207 = arith.constant 0 : i32
    %dma_start3A_208 = tpu.memref_slice %arg12[%dma_start3A_203, %dma_start3A_207] : memref<4x128xi32, #tpu.memory_space<vmem>> -> memref<1x128xi32, #tpu.memory_space<vmem>>
    %dma_start3A_209 = tpu.memref_squeeze %dma_start3A_208 : memref<1x128xi32, #tpu.memory_space<vmem>> -> memref<128xi32, #tpu.memory_space<vmem>>
    %dma_start3A_210 = arith.constant 0 : i32
    %dma_start3A_211 = arith.constant 0 : i32
    %dma_start3A_212 = tpu.memref_slice %arg5[%dma_start3A_210, %dma_start3A_211] : memref<100000x128xf32, #tpu.memory_space<hbm>> -> memref<100000x128xf32, #tpu.memory_space<hbm>>
    tpu.enqueue_indirect_dma source(%dma_start3A_212 : memref<100000x128xf32, #tpu.memory_space<hbm>>) target(%dma_start3A_206 : memref<128x128xf32, #tpu.memory_space<vmem>>) offsets(%dma_start3A_209 : memref<128xi32, #tpu.memory_space<vmem>>) semaphore(%arg16 : memref<!tpu.dma_semaphore, #tpu.memory_space<semaphore_mem>>)
    %dma_wait3A_213 = arith.constant 2 : i32
    %dma_wait3A_214 = arith.constant 0 : i32
    %dma_wait3A_215 = arith.constant 0 : i32
    %dma_wait3A_216 = tpu.memref_slice %arg13[%dma_wait3A_214, %dma_wait3A_215] : memref<256x128xf32, #tpu.memory_space<vmem>> -> memref<128x128xf32, #tpu.memory_space<vmem>>
    %dma_wait3A_217 = arith.constant 0 : i32
    %dma_wait3A_218 = tpu.memref_slice %arg12[%dma_wait3A_213, %dma_wait3A_217] : memref<4x128xi32, #tpu.memory_space<vmem>> -> memref<1x128xi32, #tpu.memory_space<vmem>>
    %dma_wait3A_219 = tpu.memref_squeeze %dma_wait3A_218 : memref<1x128xi32, #tpu.memory_space<vmem>> -> memref<128xi32, #tpu.memory_space<vmem>>
    %dma_wait3A_220 = arith.constant 0 : i32
    %dma_wait3A_221 = arith.constant 0 : i32
    %dma_wait3A_222 = tpu.memref_slice %arg4[%dma_wait3A_220, %dma_wait3A_221] : memref<100000x128xf32, #tpu.memory_space<hbm>> -> memref<100000x128xf32, #tpu.memory_space<hbm>>
    tpu.wait_indirect_dma semaphore(%arg16 : memref<!tpu.dma_semaphore, #tpu.memory_space<semaphore_mem>>) src(%dma_wait3A_222 : memref<100000x128xf32, #tpu.memory_space<hbm>>) dst(%dma_wait3A_216 : memref<128x128xf32, #tpu.memory_space<vmem>>)
    %dma_wait3A_223 = arith.constant 3 : i32
    %dma_wait3A_224 = arith.constant 128 : i32
    %dma_wait3A_225 = arith.constant 0 : i32
    %dma_wait3A_226 = tpu.memref_slice %arg13[%dma_wait3A_224, %dma_wait3A_225] : memref<256x128xf32, #tpu.memory_space<vmem>> -> memref<128x128xf32, #tpu.memory_space<vmem>>
    %dma_wait3A_227 = arith.constant 0 : i32
    %dma_wait3A_228 = tpu.memref_slice %arg12[%dma_wait3A_223, %dma_wait3A_227] : memref<4x128xi32, #tpu.memory_space<vmem>> -> memref<1x128xi32, #tpu.memory_space<vmem>>
    %dma_wait3A_229 = tpu.memref_squeeze %dma_wait3A_228 : memref<1x128xi32, #tpu.memory_space<vmem>> -> memref<128xi32, #tpu.memory_space<vmem>>
    %dma_wait3A_230 = arith.constant 0 : i32
    %dma_wait3A_231 = arith.constant 0 : i32
    %dma_wait3A_232 = tpu.memref_slice %arg4[%dma_wait3A_230, %dma_wait3A_231] : memref<100000x128xf32, #tpu.memory_space<hbm>> -> memref<100000x128xf32, #tpu.memory_space<hbm>>
    tpu.wait_indirect_dma semaphore(%arg16 : memref<!tpu.dma_semaphore, #tpu.memory_space<semaphore_mem>>) src(%dma_wait3A_232 : memref<100000x128xf32, #tpu.memory_space<hbm>>) dst(%dma_wait3A_226 : memref<128x128xf32, #tpu.memory_space<vmem>>)
    %add3A_233 = arith.constant 256 : i32
    %add3A_234 = arith.addi %mul3A_2, %add3A_233 : i32
    %dma_start3A_235 = arith.constant 0 : i32
    %dma_start3A_236 = tpu.memref_slice %arg7[%add3A_234, %dma_start3A_235] : memref<16384x128xf32, #tpu.memory_space<hbm>> -> memref<256x128xf32, #tpu.memory_space<hbm>>
    %dma_start3A_237 = arith.constant 0 : i32
    %dma_start3A_238 = tpu.memref_slice %arg7[%add3A_234, %dma_start3A_237] : memref<16384x128xf32, #tpu.memory_space<hbm>> -> memref<256x128xf32, #tpu.memory_space<hbm>>
    tpu.enqueue_dma source(%arg13 : memref<256x128xf32, #tpu.memory_space<vmem>>) target(%dma_start3A_238 : memref<256x128xf32, #tpu.memory_space<hbm>>) target_semaphore(%arg17 : memref<!tpu.dma_semaphore, #tpu.memory_space<semaphore_mem>>)
    %add3A_239 = arith.constant 256 : i32
    %add3A_240 = arith.addi %mul3A_2, %add3A_239 : i32
    %dma_start3A_241 = arith.constant 0 : i32
    %dma_start3A_242 = tpu.memref_slice %arg10[%add3A_240, %dma_start3A_241] : memref<16384x128xf32, #tpu.memory_space<hbm>> -> memref<256x128xf32, #tpu.memory_space<hbm>>
    %dma_start3A_243 = arith.constant 0 : i32
    %dma_start3A_244 = tpu.memref_slice %arg10[%add3A_240, %dma_start3A_243] : memref<16384x128xf32, #tpu.memory_space<hbm>> -> memref<256x128xf32, #tpu.memory_space<hbm>>
    tpu.enqueue_dma source(%arg13 : memref<256x128xf32, #tpu.memory_space<vmem>>) target(%dma_start3A_244 : memref<256x128xf32, #tpu.memory_space<hbm>>) target_semaphore(%arg17 : memref<!tpu.dma_semaphore, #tpu.memory_space<semaphore_mem>>)
    %dma_wait3A_245 = arith.constant 0 : i32
    %dma_wait3A_246 = tpu.memref_slice %arg7[%add3A_174, %dma_wait3A_245] : memref<16384x128xf32, #tpu.memory_space<hbm>> -> memref<256x128xf32, #tpu.memory_space<hbm>>
    %dma_wait3A_247 = arith.constant 0 : i32
    %dma_wait3A_248 = tpu.memref_slice %arg7[%add3A_174, %dma_wait3A_247] : memref<16384x128xf32, #tpu.memory_space<hbm>> -> memref<256x128xf32, #tpu.memory_space<hbm>>
    tpu.wait_dma2 semaphore(%arg17 : memref<!tpu.dma_semaphore, #tpu.memory_space<semaphore_mem>>) src(%arg15 : memref<256x128xf32, #tpu.memory_space<vmem>>) dst(%dma_wait3A_248 : memref<256x128xf32, #tpu.memory_space<hbm>>)
    %dma_wait3A_249 = arith.constant 0 : i32
    %dma_wait3A_250 = tpu.memref_slice %arg10[%add3A_180, %dma_wait3A_249] : memref<16384x128xf32, #tpu.memory_space<hbm>> -> memref<256x128xf32, #tpu.memory_space<hbm>>
    %dma_wait3A_251 = arith.constant 0 : i32
    %dma_wait3A_252 = tpu.memref_slice %arg10[%add3A_180, %dma_wait3A_251] : memref<16384x128xf32, #tpu.memory_space<hbm>> -> memref<256x128xf32, #tpu.memory_space<hbm>>
    tpu.wait_dma2 semaphore(%arg17 : memref<!tpu.dma_semaphore, #tpu.memory_space<semaphore_mem>>) src(%arg15 : memref<256x128xf32, #tpu.memory_space<vmem>>) dst(%dma_wait3A_252 : memref<256x128xf32, #tpu.memory_space<hbm>>)
    %dma_start3A_253 = arith.constant 2 : i32
    %dma_start3A_254 = arith.constant 0 : i32
    %dma_start3A_255 = arith.constant 0 : i32
    %dma_start3A_256 = tpu.memref_slice %arg15[%dma_start3A_254, %dma_start3A_255] : memref<256x128xf32, #tpu.memory_space<vmem>> -> memref<128x128xf32, #tpu.memory_space<vmem>>
    %dma_start3A_257 = arith.constant 0 : i32
    %dma_start3A_258 = tpu.memref_slice %arg12[%dma_start3A_253, %dma_start3A_257] : memref<4x128xi32, #tpu.memory_space<vmem>> -> memref<1x128xi32, #tpu.memory_space<vmem>>
    %dma_start3A_259 = tpu.memref_squeeze %dma_start3A_258 : memref<1x128xi32, #tpu.memory_space<vmem>> -> memref<128xi32, #tpu.memory_space<vmem>>
    %dma_start3A_260 = arith.constant 0 : i32
    %dma_start3A_261 = arith.constant 0 : i32
    %dma_start3A_262 = tpu.memref_slice %arg5[%dma_start3A_260, %dma_start3A_261] : memref<100000x128xf32, #tpu.memory_space<hbm>> -> memref<100000x128xf32, #tpu.memory_space<hbm>>
    tpu.enqueue_indirect_dma source(%dma_start3A_262 : memref<100000x128xf32, #tpu.memory_space<hbm>>) target(%dma_start3A_256 : memref<128x128xf32, #tpu.memory_space<vmem>>) offsets(%dma_start3A_259 : memref<128xi32, #tpu.memory_space<vmem>>) semaphore(%arg16 : memref<!tpu.dma_semaphore, #tpu.memory_space<semaphore_mem>>)
    %dma_start3A_263 = arith.constant 3 : i32
    %dma_start3A_264 = arith.constant 128 : i32
    %dma_start3A_265 = arith.constant 0 : i32
    %dma_start3A_266 = tpu.memref_slice %arg15[%dma_start3A_264, %dma_start3A_265] : memref<256x128xf32, #tpu.memory_space<vmem>> -> memref<128x128xf32, #tpu.memory_space<vmem>>
    %dma_start3A_267 = arith.constant 0 : i32
    %dma_start3A_268 = tpu.memref_slice %arg12[%dma_start3A_263, %dma_start3A_267] : memref<4x128xi32, #tpu.memory_space<vmem>> -> memref<1x128xi32, #tpu.memory_space<vmem>>
    %dma_start3A_269 = tpu.memref_squeeze %dma_start3A_268 : memref<1x128xi32, #tpu.memory_space<vmem>> -> memref<128xi32, #tpu.memory_space<vmem>>
    %dma_start3A_270 = arith.constant 0 : i32
    %dma_start3A_271 = arith.constant 0 : i32
    %dma_start3A_272 = tpu.memref_slice %arg5[%dma_start3A_270, %dma_start3A_271] : memref<100000x128xf32, #tpu.memory_space<hbm>> -> memref<100000x128xf32, #tpu.memory_space<hbm>>
    tpu.enqueue_indirect_dma source(%dma_start3A_272 : memref<100000x128xf32, #tpu.memory_space<hbm>>) target(%dma_start3A_266 : memref<128x128xf32, #tpu.memory_space<vmem>>) offsets(%dma_start3A_269 : memref<128xi32, #tpu.memory_space<vmem>>) semaphore(%arg16 : memref<!tpu.dma_semaphore, #tpu.memory_space<semaphore_mem>>)
    %dma_wait3A_273 = arith.constant 0 : i32
    %dma_wait3A_274 = arith.constant 0 : i32
    %dma_wait3A_275 = arith.constant 0 : i32
    %dma_wait3A_276 = tpu.memref_slice %arg14[%dma_wait3A_274, %dma_wait3A_275] : memref<256x128xf32, #tpu.memory_space<vmem>> -> memref<128x128xf32, #tpu.memory_space<vmem>>
    %dma_wait3A_277 = arith.constant 0 : i32
    %dma_wait3A_278 = tpu.memref_slice %arg12[%dma_wait3A_273, %dma_wait3A_277] : memref<4x128xi32, #tpu.memory_space<vmem>> -> memref<1x128xi32, #tpu.memory_space<vmem>>
    %dma_wait3A_279 = tpu.memref_squeeze %dma_wait3A_278 : memref<1x128xi32, #tpu.memory_space<vmem>> -> memref<128xi32, #tpu.memory_space<vmem>>
    %dma_wait3A_280 = arith.constant 0 : i32
    %dma_wait3A_281 = arith.constant 0 : i32
    %dma_wait3A_282 = tpu.memref_slice %arg5[%dma_wait3A_280, %dma_wait3A_281] : memref<100000x128xf32, #tpu.memory_space<hbm>> -> memref<100000x128xf32, #tpu.memory_space<hbm>>
    tpu.wait_indirect_dma semaphore(%arg16 : memref<!tpu.dma_semaphore, #tpu.memory_space<semaphore_mem>>) src(%dma_wait3A_282 : memref<100000x128xf32, #tpu.memory_space<hbm>>) dst(%dma_wait3A_276 : memref<128x128xf32, #tpu.memory_space<vmem>>)
    %dma_wait3A_283 = arith.constant 1 : i32
    %dma_wait3A_284 = arith.constant 128 : i32
    %dma_wait3A_285 = arith.constant 0 : i32
    %dma_wait3A_286 = tpu.memref_slice %arg14[%dma_wait3A_284, %dma_wait3A_285] : memref<256x128xf32, #tpu.memory_space<vmem>> -> memref<128x128xf32, #tpu.memory_space<vmem>>
    %dma_wait3A_287 = arith.constant 0 : i32
    %dma_wait3A_288 = tpu.memref_slice %arg12[%dma_wait3A_283, %dma_wait3A_287] : memref<4x128xi32, #tpu.memory_space<vmem>> -> memref<1x128xi32, #tpu.memory_space<vmem>>
    %dma_wait3A_289 = tpu.memref_squeeze %dma_wait3A_288 : memref<1x128xi32, #tpu.memory_space<vmem>> -> memref<128xi32, #tpu.memory_space<vmem>>
    %dma_wait3A_290 = arith.constant 0 : i32
    %dma_wait3A_291 = arith.constant 0 : i32
    %dma_wait3A_292 = tpu.memref_slice %arg5[%dma_wait3A_290, %dma_wait3A_291] : memref<100000x128xf32, #tpu.memory_space<hbm>> -> memref<100000x128xf32, #tpu.memory_space<hbm>>
    tpu.wait_indirect_dma semaphore(%arg16 : memref<!tpu.dma_semaphore, #tpu.memory_space<semaphore_mem>>) src(%dma_wait3A_292 : memref<100000x128xf32, #tpu.memory_space<hbm>>) dst(%dma_wait3A_286 : memref<128x128xf32, #tpu.memory_space<vmem>>)
    %add3A_293 = arith.constant 0 : i32
    %add3A_294 = arith.addi %mul3A_2, %add3A_293 : i32
    %dma_start3A_295 = arith.constant 0 : i32
    %dma_start3A_296 = tpu.memref_slice %arg8[%add3A_294, %dma_start3A_295] : memref<16384x128xf32, #tpu.memory_space<hbm>> -> memref<256x128xf32, #tpu.memory_space<hbm>>
    %dma_start3A_297 = arith.constant 0 : i32
    %dma_start3A_298 = tpu.memref_slice %arg8[%add3A_294, %dma_start3A_297] : memref<16384x128xf32, #tpu.memory_space<hbm>> -> memref<256x128xf32, #tpu.memory_space<hbm>>
    tpu.enqueue_dma source(%arg14 : memref<256x128xf32, #tpu.memory_space<vmem>>) target(%dma_start3A_298 : memref<256x128xf32, #tpu.memory_space<hbm>>) target_semaphore(%arg17 : memref<!tpu.dma_semaphore, #tpu.memory_space<semaphore_mem>>)
    %add3A_299 = arith.constant 0 : i32
    %add3A_300 = arith.addi %mul3A_2, %add3A_299 : i32
    %dma_start3A_301 = arith.constant 0 : i32
    %dma_start3A_302 = tpu.memref_slice %arg11[%add3A_300, %dma_start3A_301] : memref<16384x128xf32, #tpu.memory_space<hbm>> -> memref<256x128xf32, #tpu.memory_space<hbm>>
    %dma_start3A_303 = arith.constant 0 : i32
    %dma_start3A_304 = tpu.memref_slice %arg11[%add3A_300, %dma_start3A_303] : memref<16384x128xf32, #tpu.memory_space<hbm>> -> memref<256x128xf32, #tpu.memory_space<hbm>>
    tpu.enqueue_dma source(%arg14 : memref<256x128xf32, #tpu.memory_space<vmem>>) target(%dma_start3A_304 : memref<256x128xf32, #tpu.memory_space<hbm>>) target_semaphore(%arg17 : memref<!tpu.dma_semaphore, #tpu.memory_space<semaphore_mem>>)
    %dma_wait3A_305 = arith.constant 2 : i32
    %dma_wait3A_306 = arith.constant 0 : i32
    %dma_wait3A_307 = arith.constant 0 : i32
    %dma_wait3A_308 = tpu.memref_slice %arg15[%dma_wait3A_306, %dma_wait3A_307] : memref<256x128xf32, #tpu.memory_space<vmem>> -> memref<128x128xf32, #tpu.memory_space<vmem>>
    %dma_wait3A_309 = arith.constant 0 : i32
    %dma_wait3A_310 = tpu.memref_slice %arg12[%dma_wait3A_305, %dma_wait3A_309] : memref<4x128xi32, #tpu.memory_space<vmem>> -> memref<1x128xi32, #tpu.memory_space<vmem>>
    %dma_wait3A_311 = tpu.memref_squeeze %dma_wait3A_310 : memref<1x128xi32, #tpu.memory_space<vmem>> -> memref<128xi32, #tpu.memory_space<vmem>>
    %dma_wait3A_312 = arith.constant 0 : i32
    %dma_wait3A_313 = arith.constant 0 : i32
    %dma_wait3A_314 = tpu.memref_slice %arg5[%dma_wait3A_312, %dma_wait3A_313] : memref<100000x128xf32, #tpu.memory_space<hbm>> -> memref<100000x128xf32, #tpu.memory_space<hbm>>
    tpu.wait_indirect_dma semaphore(%arg16 : memref<!tpu.dma_semaphore, #tpu.memory_space<semaphore_mem>>) src(%dma_wait3A_314 : memref<100000x128xf32, #tpu.memory_space<hbm>>) dst(%dma_wait3A_308 : memref<128x128xf32, #tpu.memory_space<vmem>>)
    %dma_wait3A_315 = arith.constant 3 : i32
    %dma_wait3A_316 = arith.constant 128 : i32
    %dma_wait3A_317 = arith.constant 0 : i32
    %dma_wait3A_318 = tpu.memref_slice %arg15[%dma_wait3A_316, %dma_wait3A_317] : memref<256x128xf32, #tpu.memory_space<vmem>> -> memref<128x128xf32, #tpu.memory_space<vmem>>
    %dma_wait3A_319 = arith.constant 0 : i32
    %dma_wait3A_320 = tpu.memref_slice %arg12[%dma_wait3A_315, %dma_wait3A_319] : memref<4x128xi32, #tpu.memory_space<vmem>> -> memref<1x128xi32, #tpu.memory_space<vmem>>
    %dma_wait3A_321 = tpu.memref_squeeze %dma_wait3A_320 : memref<1x128xi32, #tpu.memory_space<vmem>> -> memref<128xi32, #tpu.memory_space<vmem>>
    %dma_wait3A_322 = arith.constant 0 : i32
    %dma_wait3A_323 = arith.constant 0 : i32
    %dma_wait3A_324 = tpu.memref_slice %arg5[%dma_wait3A_322, %dma_wait3A_323] : memref<100000x128xf32, #tpu.memory_space<hbm>> -> memref<100000x128xf32, #tpu.memory_space<hbm>>
    tpu.wait_indirect_dma semaphore(%arg16 : memref<!tpu.dma_semaphore, #tpu.memory_space<semaphore_mem>>) src(%dma_wait3A_324 : memref<100000x128xf32, #tpu.memory_space<hbm>>) dst(%dma_wait3A_318 : memref<128x128xf32, #tpu.memory_space<vmem>>)
    %add3A_325 = arith.constant 256 : i32
    %add3A_326 = arith.addi %mul3A_2, %add3A_325 : i32
    %dma_start3A_327 = arith.constant 0 : i32
    %dma_start3A_328 = tpu.memref_slice %arg8[%add3A_326, %dma_start3A_327] : memref<16384x128xf32, #tpu.memory_space<hbm>> -> memref<256x128xf32, #tpu.memory_space<hbm>>
    %dma_start3A_329 = arith.constant 0 : i32
    %dma_start3A_330 = tpu.memref_slice %arg8[%add3A_326, %dma_start3A_329] : memref<16384x128xf32, #tpu.memory_space<hbm>> -> memref<256x128xf32, #tpu.memory_space<hbm>>
    tpu.enqueue_dma source(%arg15 : memref<256x128xf32, #tpu.memory_space<vmem>>) target(%dma_start3A_330 : memref<256x128xf32, #tpu.memory_space<hbm>>) target_semaphore(%arg17 : memref<!tpu.dma_semaphore, #tpu.memory_space<semaphore_mem>>)
    %add3A_331 = arith.constant 256 : i32
    %add3A_332 = arith.addi %mul3A_2, %add3A_331 : i32
    %dma_start3A_333 = arith.constant 0 : i32
    %dma_start3A_334 = tpu.memref_slice %arg11[%add3A_332, %dma_start3A_333] : memref<16384x128xf32, #tpu.memory_space<hbm>> -> memref<256x128xf32, #tpu.memory_space<hbm>>
    %dma_start3A_335 = arith.constant 0 : i32
    %dma_start3A_336 = tpu.memref_slice %arg11[%add3A_332, %dma_start3A_335] : memref<16384x128xf32, #tpu.memory_space<hbm>> -> memref<256x128xf32, #tpu.memory_space<hbm>>
    tpu.enqueue_dma source(%arg15 : memref<256x128xf32, #tpu.memory_space<vmem>>) target(%dma_start3A_336 : memref<256x128xf32, #tpu.memory_space<hbm>>) target_semaphore(%arg17 : memref<!tpu.dma_semaphore, #tpu.memory_space<semaphore_mem>>)
    %dma_wait3A_337 = arith.constant 0 : i32
    %dma_wait3A_338 = tpu.memref_slice %arg7[%add3A_234, %dma_wait3A_337] : memref<16384x128xf32, #tpu.memory_space<hbm>> -> memref<256x128xf32, #tpu.memory_space<hbm>>
    %dma_wait3A_339 = arith.constant 0 : i32
    %dma_wait3A_340 = tpu.memref_slice %arg7[%add3A_234, %dma_wait3A_339] : memref<16384x128xf32, #tpu.memory_space<hbm>> -> memref<256x128xf32, #tpu.memory_space<hbm>>
    tpu.wait_dma2 semaphore(%arg17 : memref<!tpu.dma_semaphore, #tpu.memory_space<semaphore_mem>>) src(%arg13 : memref<256x128xf32, #tpu.memory_space<vmem>>) dst(%dma_wait3A_340 : memref<256x128xf32, #tpu.memory_space<hbm>>)
    %dma_wait3A_341 = arith.constant 0 : i32
    %dma_wait3A_342 = tpu.memref_slice %arg10[%add3A_240, %dma_wait3A_341] : memref<16384x128xf32, #tpu.memory_space<hbm>> -> memref<256x128xf32, #tpu.memory_space<hbm>>
    %dma_wait3A_343 = arith.constant 0 : i32
    %dma_wait3A_344 = tpu.memref_slice %arg10[%add3A_240, %dma_wait3A_343] : memref<16384x128xf32, #tpu.memory_space<hbm>> -> memref<256x128xf32, #tpu.memory_space<hbm>>
    tpu.wait_dma2 semaphore(%arg17 : memref<!tpu.dma_semaphore, #tpu.memory_space<semaphore_mem>>) src(%arg13 : memref<256x128xf32, #tpu.memory_space<vmem>>) dst(%dma_wait3A_344 : memref<256x128xf32, #tpu.memory_space<hbm>>)
    %dma_wait3A_345 = arith.constant 0 : i32
    %dma_wait3A_346 = tpu.memref_slice %arg8[%add3A_294, %dma_wait3A_345] : memref<16384x128xf32, #tpu.memory_space<hbm>> -> memref<256x128xf32, #tpu.memory_space<hbm>>
    %dma_wait3A_347 = arith.constant 0 : i32
    %dma_wait3A_348 = tpu.memref_slice %arg8[%add3A_294, %dma_wait3A_347] : memref<16384x128xf32, #tpu.memory_space<hbm>> -> memref<256x128xf32, #tpu.memory_space<hbm>>
    tpu.wait_dma2 semaphore(%arg17 : memref<!tpu.dma_semaphore, #tpu.memory_space<semaphore_mem>>) src(%arg14 : memref<256x128xf32, #tpu.memory_space<vmem>>) dst(%dma_wait3A_348 : memref<256x128xf32, #tpu.memory_space<hbm>>)
    %dma_wait3A_349 = arith.constant 0 : i32
    %dma_wait3A_350 = tpu.memref_slice %arg11[%add3A_300, %dma_wait3A_349] : memref<16384x128xf32, #tpu.memory_space<hbm>> -> memref<256x128xf32, #tpu.memory_space<hbm>>
    %dma_wait3A_351 = arith.constant 0 : i32
    %dma_wait3A_352 = tpu.memref_slice %arg11[%add3A_300, %dma_wait3A_351] : memref<16384x128xf32, #tpu.memory_space<hbm>> -> memref<256x128xf32, #tpu.memory_space<hbm>>
    tpu.wait_dma2 semaphore(%arg17 : memref<!tpu.dma_semaphore, #tpu.memory_space<semaphore_mem>>) src(%arg14 : memref<256x128xf32, #tpu.memory_space<vmem>>) dst(%dma_wait3A_352 : memref<256x128xf32, #tpu.memory_space<hbm>>)
    %dma_wait3A_353 = arith.constant 0 : i32
    %dma_wait3A_354 = tpu.memref_slice %arg8[%add3A_326, %dma_wait3A_353] : memref<16384x128xf32, #tpu.memory_space<hbm>> -> memref<256x128xf32, #tpu.memory_space<hbm>>
    %dma_wait3A_355 = arith.constant 0 : i32
    %dma_wait3A_356 = tpu.memref_slice %arg8[%add3A_326, %dma_wait3A_355] : memref<16384x128xf32, #tpu.memory_space<hbm>> -> memref<256x128xf32, #tpu.memory_space<hbm>>
    tpu.wait_dma2 semaphore(%arg17 : memref<!tpu.dma_semaphore, #tpu.memory_space<semaphore_mem>>) src(%arg15 : memref<256x128xf32, #tpu.memory_space<vmem>>) dst(%dma_wait3A_356 : memref<256x128xf32, #tpu.memory_space<hbm>>)
    %dma_wait3A_357 = arith.constant 0 : i32
    %dma_wait3A_358 = tpu.memref_slice %arg11[%add3A_332, %dma_wait3A_357] : memref<16384x128xf32, #tpu.memory_space<hbm>> -> memref<256x128xf32, #tpu.memory_space<hbm>>
    %dma_wait3A_359 = arith.constant 0 : i32
    %dma_wait3A_360 = tpu.memref_slice %arg11[%add3A_332, %dma_wait3A_359] : memref<16384x128xf32, #tpu.memory_space<hbm>> -> memref<256x128xf32, #tpu.memory_space<hbm>>
    tpu.wait_dma2 semaphore(%arg17 : memref<!tpu.dma_semaphore, #tpu.memory_space<semaphore_mem>>) src(%arg15 : memref<256x128xf32, #tpu.memory_space<vmem>>) dst(%dma_wait3A_360 : memref<256x128xf32, #tpu.memory_space<hbm>>)
    return
  }
}

</mosaic_0001>

<sc_bundles>
// kernel: kernel.3.cloned.1.call-start
scs
__scs_entry_jumppad:
0x0: {  	(pc) =	sbr.rel $0x88, $3  }
0x1: {  	(tag) =	ssettag $0x0;
	lr =	simm.s32 $0x1  }
0x2: {  	[smem:$0x3F9D] =	sst lr;
	_ =	strace $0xD0000000  }
0x3: {  	_ = 	snop  }
0x4: {  	_ = 	snop  }
0x5: {  	_ = 	snop  }
0x6: {  	_ = 	snop  }
0x7: {  	_ = 	snop  }
__scs_overlays_trampoline_lowered:
0x8: {  	[smem:$0x3FAC] =	sst s0  }
0x9: {  	[smem:$0x3FAD] =	sst s1  }
0xa: {  	[smem:$0x3FAE] =	sst s2  }
0xb: {  	[smem:$0x3FAF] =	sst s3  }
0xc: {  	[smem:$0x3FB0] =	sst s4  }
0xd: {  	[smem:$0x3FB1] =	sst s5  }
0xe: {  	[smem:$0x3FB2] =	sst s6  }
0xf: {  	[smem:$0x3FB3] =	sst s7  }
0x10: {  	[smem:$0x3FB4] =	sst s8  }
0x11: {  	[smem:$0x3FB5] =	sst s9;
	s0 =	simm.s32 @!p0 $0x0  }
0x12: {  	s1 =	sld [smem:$0x3F9B];
	s0 =	simm.s32 @p0 $0x1  }
0x13: {  	[smem:$0x3FB6] =	sst s0;
	s0 =	simm.s32 @!p1 $0x0  }
0x14: {  	s2 =	sld [smem:$0x3F9A];
	s0 =	simm.s32 @p1 $0x1  }
0x15: {  	[smem:$0x3FB7] =	sst s0;
	s0 =	simm.s32 @!p2 $0x0  }
0x16: {  	s3 =	sld [smem:$0x3FDB];
	s0 =	simm.s32 @p2 $0x1  }
0x17: {  	s4 =	simm.s32 $0x1BF5;
	[smem:$0x3FB9] =	sst s0  }
0x18: {  	s0 =	sld [smem:$0x3F9C];
	_ =	swait.ge [sflag:s4], $0x0  }
0x19: {  	s7 =	sld [smem:$0x3F9D]  }
0x1a: {  	s8 =	sadd.s32 $0xFFFFE003, lr  }
0x1b: {  	s9 =	sadd.s32 $0xFFFFFEF7, lr;
	s5 =	simm.s32 $0xFFFFFFFF;
	p2 =	slt.u32 s8, $0xFFFFF086  }
0x1c: {  	p1 =	slt.u32 s9, $0xF7A;
	s5 =	simm.s32 @!p2 $0x0  }
0x1d: {  	s5 =	simm.s32 @p1 $0x1;
	p0 =	seq.s32 s7, s2  }
0x1e: {  	s7 =	smul.u32 @!p0 $0xF7A, s2;
	p2 =	seq.s32 @!p0 s5, $0x0  }
0x1f: {  	s9 =	smul.u32 $0xF7A, s1;
	s8 =	simm.s32 @!p0 $0x1BF5;
	p2 =	por !p2, p0  }
0x20: {  	[sflag:s8] =	ssyncset.s32 @!p0 $0xFFFFF086;
	s6 =	sadd.s32 @!p0 s3, s7;
	s7 =	simm.s32 @!p0 $0x108  }
0x21: {  	s3 =	sadd.s32 s3, s9;
	s6 =	sadd.s32 @!p0 $0x88, s6;
	s7 =	simm.s32 @p2 $0x1082  }
0x22: {  	[simem:s7], [sflag:s8] =	dma.local @!p0 [hbm:s6], $0xF7A  }
0x23: {  	s9 =	sor.u32 $0xD0000000, s2;
	s6 =	simm.s32 $0x108;
	_ =	swait.ge @!p0 [sflag:s8], $0x0  }
0x24: {  	s3 =	sadd.s32 $0x88, s3;
	s6 =	simm.s32 @!p1 $0x1082;
	[sflag:s4] =	ssyncset.s32 $0xFFFFF086  }
0x25: {  	[simem:s6], [sflag:s4] =	dma.local [hbm:s3], $0xF7A  }
0x26: {  	[smem:$0x3F9D] =	sst s1;
	(tag) =	ssettag s2;
	_ =	strace s9  }
0x27: {  	s1 =	sld [smem:$0x3FAD]  }
0x28: {  	s2 =	sld [smem:$0x3FAE]  }
0x29: {  	s4 =	sld [smem:$0x3FB0]  }
0x2a: {  	p0 =	seq.s32 s5, $0x0;
	s5 =	sld [smem:$0x3FB1]  }
0x2b: {  	s6 =	sld [smem:$0x3FB2]  }
0x2c: {  	s7 =	sld [smem:$0x3FB3]  }
0x2d: {  	s3 =	simm.s32 $0x108;
	s8 =	sld [smem:$0x3FB4]  }
0x2e: {  	s3 =	simm.s32 @!p0 $0x1082;
	s9 =	sld [smem:$0x3FB5]  }
0x2f: {  	lr =	sadd.s32 s0, s3;
	s0 =	sld [smem:$0x3FAC]  }
0x30: {  	s3 =	sld [smem:$0x3FAF]  }
0x31: {  	[smem:$0x3FB8] =	sst s10  }
0x32: {  	s10 =	sld [smem:$0x3FB6];
	_ =	sdelay $0x3  }
0x33: {  	p0 =	seq.s32 s10, $0x1;
	s10 =	sld [smem:$0x3FB8];
	_ =	sdelay $0x3  }
0x34: {  	[smem:$0x3FB8] =	sst s10  }
0x35: {  	s10 =	sld [smem:$0x3FB7];
	_ =	sdelay $0x3  }
0x36: {  	p1 =	seq.s32 s10, $0x1;
	s10 =	sld [smem:$0x3FB8];
	_ =	sdelay $0x3  }
0x37: {  	[smem:$0x3FB8] =	sst s10  }
0x38: {  	s10 =	sld [smem:$0x3FB9]  }
0x39: {  	_ = 	snop;
	(pc) =	sbr.ind lr, $3  }
0x3a: {  	_ = 	snop  }
0x3b: {  	_ = 	snop  }
0x3c: {  	p2 =	seq.s32 s10, $0x1;
	s10 =	sld [smem:$0x3FB8]  }
0x3d: {  	_ =	shalt  }
0x3e: {  	_ =	shalt  }
0x3f: {  	_ =	shalt  }
0x40: {  	_ =	shalt  }
0x41: {  	_ =	shalt  }
0x42: {  	_ =	shalt  }
0x43: {  	_ =	shalt  }
0x44: {  	_ =	shalt  }
0x45: {  	_ =	shalt  }
0x46: {  	_ =	shalt  }
0x47: {  	_ =	shalt  }
0x48: {  	_ =	shalt  }
0x49: {  	_ =	shalt  }
0x4a: {  	_ =	shalt  }
0x4b: {  	_ =	shalt  }
0x4c: {  	_ =	shalt  }
0x4d: {  	_ =	shalt  }
0x4e: {  	_ =	shalt  }
0x4f: {  	_ =	shalt  }
0x50: {  	_ =	shalt  }
0x51: {  	_ =	shalt  }
0x52: {  	_ =	shalt  }
0x53: {  	_ =	shalt  }
0x54: {  	_ =	shalt  }
0x55: {  	_ =	shalt  }
0x56: {  	_ =	shalt  }
0x57: {  	_ =	shalt  }
0x58: {  	_ =	shalt  }
0x59: {  	_ =	shalt  }
0x5a: {  	_ =	shalt  }
0x5b: {  	_ =	shalt  }
0x5c: {  	_ =	shalt  }
0x5d: {  	_ =	shalt  }
0x5e: {  	_ =	shalt  }
0x5f: {  	_ =	shalt  }
0x60: {  	_ =	shalt  }
0x61: {  	_ =	shalt  }
0x62: {  	_ =	shalt  }
0x63: {  	_ =	shalt  }
0x64: {  	_ =	shalt  }
0x65: {  	_ =	shalt  }
0x66: {  	_ =	shalt  }
0x67: {  	_ =	shalt  }
0x68: {  	_ =	shalt  }
0x69: {  	_ =	shalt  }
0x6a: {  	_ =	shalt  }
0x6b: {  	_ =	shalt  }
0x6c: {  	_ =	shalt  }
0x6d: {  	_ =	shalt  }
0x6e: {  	_ =	shalt  }
0x6f: {  	_ =	shalt  }
0x70: {  	_ =	shalt  }
0x71: {  	_ =	shalt  }
0x72: {  	_ =	shalt  }
0x73: {  	_ =	shalt  }
0x74: {  	_ =	shalt  }
0x75: {  	_ =	shalt  }
0x76: {  	_ =	shalt  }
0x77: {  	_ =	shalt  }
0x78: {  	_ =	shalt  }
0x79: {  	_ =	shalt  }
0x7a: {  	_ =	shalt  }
0x7b: {  	_ =	shalt  }
0x7c: {  	_ =	shalt  }
0x7d: {  	_ =	shalt  }
0x7e: {  	_ =	shalt  }
0x7f: {  	_ =	shalt  }
0x80: {  	_ =	shalt  }
0x81: {  	_ =	shalt  }
0x82: {  	_ =	shalt  }
0x83: {  	_ =	shalt  }
0x84: {  	_ =	shalt  }
0x85: {  	_ =	shalt  }
0x86: {  	_ =	shalt  }
0x87: {  	_ =	shalt  }
.Lfunc_end0:
.L_simem_size_0:
called_computation_lowered:
.L_overlay_start_0:
0x88: {  	s2 =	sld [smem:$0x3FD9]  }
0x89: {  	s3 =	sld [smem:$0x3FFE];
	_ =	sdelay $0x1  }
0x8a: {  	s1 =	srdreg.scid  }
0x8b: {  	s0 =	sand.u32 $0x1, s1  }
0x8c: {  	s15 =	sshll.u32 s0, $0xA;
	s2 =	sadd.s32 s3, s2  }
0x8d: {  	s2 =	sadd.s32 s2, s15  }
0x8e: {  	[smem:$0x3FC4] =	sst s2  }
0x8f: {  	_ = 	snop  }
0x90: {  	s2 =	sld [smem:$0x3FC9]  }
0x91: {  	s16 =	sld [smem:$0x3FD0]  }
0x92: {  	s4 =	sld [smem:$0x3FC8]  }
0x93: {  	s5 =	sld [smem:$0x3FC7]  }
0x94: {  	s7 =	simm.s32 $0xA;
	s8 =	simm.s32 $0x10;
	s6 =	sld [smem:$0x3FC6]  }
0x95: {  	[smem:s8], [sflag:s7] =	dma.local [hbm:s16], $0x1  }
0x96: {  	_ =	swait.eq [sflag:s7], $0x1  }
0x97: {  	s17 =	sld [smem:$0x10]  }
0x98: {  	s18 =	sld [smem:$0x11]  }
0x99: {  	s9 =	sld [smem:$0x12]  }
0x9a: {  	s10 =	sld [smem:$0x13];
	[sflag:s7] =	ssyncset.done $0x0  }
0x9b: {  	s11 =	sld [smem:$0x14];
	[sflag:s7] =	ssyncadd.s32 $0xFFFFFFFF  }
0x9c: {  	s19 =	sld [smem:$0x15];
	(tm) =	ssettm $0x1  }
0x9d: {  	s12 =	sld [smem:$0x3FFB];
	_ =	sdelay $0x3  }
0x9e: {  	_ =	strace s12  }
0x9f: {  	s12 =	sld [smem:$0x3FFC];
	_ =	sdelay $0x3  }
0xa0: {  	_ =	strace s12  }
0xa1: {  	s12 =	sld [smem:$0x3FFD];
	_ =	sdelay $0x3  }
0xa2: {  	_ =	strace s12  }
0xa3: {  	_ =	strace $0x8FFFFFFF  }
0xa4: {  	s20 =	sld [smem:$0x3FDB];
	_ =	sdelay $0x1  }
0xa5: {  	s13 =	simm.s32 $_scs_section_size  }
0xa6: {  	s14 =	simm.s32 $_size__tile_overlayer_lowered;
	s15 =	simm.s32 $_tile_overlayer_lowered  }
0xa7: {  	s23 =	simm.s32 $0x1BFF;
	s22 =	sshll.u32 s15, $0x1;
	s12 =	sadd.s32 s13, s20  }
0xa8: {  	s21 =	sshll.u32 s14, $0x1;
	s16 =	simm.s32 $0x0;
	s14 =	sadd.s32 s22, s12  }
0xa9: {  	[timem:s16], [sflag:s23] =	dma.local [hbm:s14], s21  }
0xaa: {  	_ =	swait.ge [sflag:s23], s21  }
0xab: {  	s13 =	ssub.s32 $0x0, s21;
	[sflag:s23] =	ssyncset.done $0x0  }
0xac: {  	[sflag:s23] =	ssyncadd.s32 s13;
	_ =	sdelay $0x1  }
0xad: {  	s24 =	simm.s32 $0x1B8B  }
0xae: {  	_ =	swait.ge [sflag:s24], $0x1  }
0xaf: {  	[sflag:s24] =	ssyncset.done $0x0  }
0xb0: {  	s25 =	simm.s32 $0x1B8E;
	[sflag:s24] =	ssyncadd.s32 $0xFFFFFFFF  }
0xb1: {  	s26 =	simm.s32 $execute0_lowered;
	[smem:$0x3FD2] =	sst s25  }
0xb2: {  	s13 =	sshll.u32 s26, $0x1;
	_ =	strace $0x80000046;
	[dreg:$0x1] =	wrdreg $0xFFFFFFFF  }
0xb3: {  	s28 =	simm.s32 $_size_execute0_lowered;
	s12 =	sadd.s32 s12, s13;
	[dreg:$0x0] =	wrdreg $0x0  }
0xb4: {  	s13 =	sshll.u32 s28, $0x1;
	[dreg:$0x2] =	wrdreg s12  }
0xb5: {  	[dreg:$0x3] =	wrdreg s13  }
0xb6: {  	[dreg:$0x4] =	wrdreg $0xC0  }
0xb7: {  	_ =	task [dreg:s16], $0x5FFFF  }
0xb8: {  	[dreg:$0x1] =	wrdreg $0xFFFFFFFF  }
0xb9: {  	[dreg:$0x0] =	wrdreg $0x60  }
0xba: {  	[dreg:$0x2] =	wrdreg s2  }
0xbb: {  	[dreg:$0x3] =	wrdreg s4  }
0xbc: {  	[dreg:$0x4] =	wrdreg s5  }
0xbd: {  	[dreg:$0x5] =	wrdreg s6  }
0xbe: {  	[dreg:$0x6] =	wrdreg s17  }
0xbf: {  	[dreg:$0x7] =	wrdreg s18  }
0xc0: {  	[dreg:$0x8] =	wrdreg s9  }
0xc1: {  	[dreg:$0x9] =	wrdreg s10  }
0xc2: {  	[dreg:$0xa] =	wrdreg s11  }
0xc3: {  	[dreg:$0xb] =	wrdreg s19  }
0xc4: {  	[dreg:$0xc] =	wrdreg $0x9  }
0xc5: {  	_ =	task.clear_ibuf [dreg:s16], $0xDFFFF;
	_ =	strace $0x90000046  }
0xc6: {  	s29 =	simm.s32 $0x9;
	_ =	strace $0x80000048  }
0xc7: {  	_ =	swait.ge [sflag:s29], $0x1  }
0xc8: {  	[sflag:s29] =	ssyncadd.s32 $0xFFFFFFFF  }
0xc9: {  	_ =	strace $0x90000048  }
0xca: {  	_ =	sfence  }
0xcb: {  	s30 =	sld [smem:$0x0];
	_ =	sdelay $0x2  }
0xcc: {  	s31 =	sshll.u32 s1, $0xD;
	s1 =	sshrl.u32 s1, $0x2  }
0xcd: {  	s3 =	sand.u32 $0x4000, s31;
	s1 =	sadd.s32 s1, s30  }
0xce: {  	s0 =	sor.u32 s3, s0;
	s1 =	sshll.u32 s1, $0x11  }
0xcf: {  	s0 =	sor.u32 s1, s0  }
0xd0: {  	s0 =	sadd.s32 $0x8F2B, s0  }
0xd1: {  	[sflag:s0] =	ssyncadd.remote.s32 $0x1  }
0xd2: {  	_ =	sfence.sel $0xFFFF  }
0xd3: {  	[dreg:$0x0] =	wrdreg $0xFFFFFFFF;
	(pc) =	sbr.abs _section_cstart, $3  }
0xd4: {  	[dreg:$0x1] =	wrdreg $0xFFFFFFFF  }
0xd5: {  	_ =	task.clear_ibuf [dreg:s16], $0x2FFFF;
	_ =	strace $0x9FFFFFFF  }
0xd6: {  	(tm) =	ssettm $0x7FFFFFFF  }
0xd7: {  	_ =	shalt  }
tec
execute0_lowered:
.L_overlay_start_1:
0x0: {  	(tag) =	ssettag $0x1  }
0x1: {  	s1 =	rddreg [dreg:$0x0]  }
0x2: {  	s22 =	rddreg [dreg:$0x1]  }
0x3: {  	s9 =	rddreg [dreg:$0x2]  }
0x4: {  	s3 =	rddreg [dreg:$0x3]  }
0x5: {  	s4 =	rddreg [dreg:$0x4]  }
0x6: {  	s5 =	rddreg [dreg:$0x5]  }
0x7: {  	s6 =	rddreg [dreg:$0x6]  }
0x8: {  	s7 =	rddreg [dreg:$0x7]  }
0x9: {  	s2 =	srdreg.scid;
	s8 =	rddreg [dreg:$0x8]  }
0xa: {  	s0 =	stileid.u32;
	s11 =	rddreg [dreg:$0x9]  }
0xb: {  	s30 =	simm.s32 $0x3;
	s18 =	simm.s32 $0x200;
	s26 =	simm.s32 $0x4200  }
0xc: {  	s16 =	simm.s32 $0x100;
	s17 =	simm.s32 $0x180;
	p0 =	por $0x0, $0x0  }
0xd: {  	s10 =	sand.u32 $0x1, s2;
	s12 =	sshll.u32 s0, $0xA;
	s2 =	simm.s32 $0x0  }
0xe: {  	s13 =	sshll.u32 s10, $0x9;
	[smem:$0x7FF] =	sst s2;
	s10 =	ssub.s32 $0x2, s10  }
0xf: {  	s12 =	sor.u32 s13, s12;
	_ =	strace $0x80000047;
	s14 =	sshrl.u32 s10, $0x1  }
0x10: {  	s13 =	sshrl.u32 s12, $0x3;
	s10 =	ssub.s32 s10, s14;
	s19 =	sshll.u32 s12, $0x4  }
0x11: {  	s1 =	sadd.s32 s1, s13;
	s28 =	sadd.s32 s4, s19;
	s29 =	sadd.s32 s7, s19  }
0x12: {  	s12 =	sor.u32 $0x1000, s19;
	s20 =	sadd.s32 s5, s19;
	s21 =	sadd.s32 s8, s19  }
0x13: {  	s23 =	smax.u32 s10, $0x1;
	s13 =	simm.s32 $0x80;
	s10 =	simm.s32 $0x10200  }
0x14: {  	[dreg:$0xb] =	wrdreg s1;
	s24 =	sadd.s32 s4, s12;
	p1 =	sne.s32 s23, $0x1  }
.Ltmp0:
0x15: {  	s25 =	sadd.s32 s7, s12;
	s14 =	sadd.s32 s5, s12;
	(pc) =	sbr.rel @!p1 .LBB2_3-.Ltmp0, $4  }
0x16: {  	s15 =	sadd.s32 s8, s12;
	s7 =	sadd.s32 s6, s19;
	s8 =	sadd.s32 s11, s19  }
0x17: {  	s5 =	sadd.s32 s6, s12;
	s6 =	sadd.s32 s11, s12;
	s11 =	simm.s32 $0x8200  }
0x18: {  	s31 =	sadd.s32 $0xFFFFFFFF, s23;
	s23 =	simm.s32 $0xC200;
	s12 =	simm.s32 $0x1  }
0x19: {  	s19 =	simm.s32 $0x14200;
	s4 =	simm.s32 $0x2;
	s1 =	rddreg [dreg:$0xb]  }
0x1a: {  	[tilespmem:s2], [sflag:$0x3] =	stream.linear.gather [hbm4b:s1+s2], $0x200, $0x38;
	[tilespmem:$0x18200] =	vst v63  }
0x1b: {  	_ =	swait.ge [sflag:s30], $0x200  }
0x1c: {  	[sflag:s30] =	ssyncset.done $0x0  }
0x1d: {  	[sflag:s30] =	ssyncadd.s32 $0xFFFFFE00  }
0x1e: {  	[tilespmem:s18], [sflag:$0x1] =	stream.indirect.gather [hbm4b:s22+s13], $0x80, s2, s13, $0xb8;
	[tilespmem:$0x18200] =	vst v63  }
0x1f: {  	_ = 	snop  }
0x20: {  	[tilespmem:s26], [sflag:$0x1] =	stream.indirect.gather [hbm4b:s22+s13], $0x80, s13, s13, $0xb8;
	[tilespmem:$0x18200] =	vst v63  }
0x21: {  	_ = 	snop  }
0x22: {  	[tilespmem:s11], [sflag:$0x1] =	stream.indirect.gather [hbm4b:s22+s13], $0x80, s16, s13, $0xb8;
	[tilespmem:$0x18200] =	vst v63  }
0x23: {  	_ = 	snop  }
0x24: {  	[tilespmem:s23], [sflag:$0x1] =	stream.indirect.gather [hbm4b:s22+s13], $0x80, s17, s13, $0xb8;
	[tilespmem:$0x18200] =	vst v63  }
0x25: {  	_ =	swait.ge [sflag:s12], $0x4000  }
0x26: {  	[sflag:s12] =	ssyncset.done $0x0  }
0x27: {  	[sflag:s12] =	ssyncadd.s32 $0xFFFFC000  }
0x28: {  	_ =	swait.ge [sflag:s12], $0x4000  }
0x29: {  	[sflag:s12] =	ssyncset.done $0x0  }
0x2a: {  	[sflag:s12] =	ssyncadd.s32 $0xFFFFC000  }
0x2b: {  	[hbm4b:s28+s2] =	stream.linear.scatter [tilespmem:s18], [sflag:$0x2], $0x8000, $0x38;
	[tilespmem:$0x18200] =	vst v63  }
0x2c: {  	_ = 	snop  }
0x2d: {  	[hbm4b:s29+s2] =	stream.linear.scatter [tilespmem:s18], [sflag:$0x2], $0x8000, $0x38;
	[tilespmem:$0x18200] =	vst v63  }
0x2e: {  	_ = 	snop  }
0x2f: {  	[tilespmem:s10], [sflag:$0x1] =	stream.indirect.gather [hbm4b:s9+s13], $0x80, s2, s13, $0xb8;
	[tilespmem:$0x18200] =	vst v63  }
0x30: {  	_ = 	snop  }
0x31: {  	[tilespmem:s19], [sflag:$0x1] =	stream.indirect.gather [hbm4b:s9+s13], $0x80, s13, s13, $0xb8;
	[tilespmem:$0x18200] =	vst v63  }
0x32: {  	_ =	swait.ge [sflag:s12], $0x4000  }
0x33: {  	[sflag:s12] =	ssyncset.done $0x0  }
0x34: {  	[sflag:s12] =	ssyncadd.s32 $0xFFFFC000  }
0x35: {  	_ =	swait.ge [sflag:s12], $0x4000  }
0x36: {  	[sflag:s12] =	ssyncset.done $0x0  }
0x37: {  	[sflag:s12] =	ssyncadd.s32 $0xFFFFC000  }
0x38: {  	[hbm4b:s24+s2] =	stream.linear.scatter [tilespmem:s11], [sflag:$0x2], $0x8000, $0x38;
	[tilespmem:$0x18200] =	vst v63  }
0x39: {  	_ = 	snop  }
0x3a: {  	[hbm4b:s25+s2] =	stream.linear.scatter [tilespmem:s11], [sflag:$0x2], $0x8000, $0x38;
	[tilespmem:$0x18200] =	vst v63  }
0x3b: {  	_ =	swait.ge [sflag:s4], $0x8000  }
0x3c: {  	[sflag:s4] =	ssyncset.done $0x0  }
0x3d: {  	[sflag:s4] =	ssyncadd.s32 $0xFFFF8000  }
0x3e: {  	_ =	swait.ge [sflag:s4], $0x8000  }
0x3f: {  	[sflag:s4] =	ssyncset.done $0x0  }
0x40: {  	[sflag:s4] =	ssyncadd.s32 $0xFFFF8000  }
0x41: {  	[tilespmem:s18], [sflag:$0x1] =	stream.indirect.gather [hbm4b:s9+s13], $0x80, s16, s13, $0xb8;
	[tilespmem:$0x18200] =	vst v63  }
0x42: {  	_ = 	snop  }
0x43: {  	[tilespmem:s26], [sflag:$0x1] =	stream.indirect.gather [hbm4b:s9+s13], $0x80, s17, s13, $0xb8;
	[tilespmem:$0x18200] =	vst v63  }
0x44: {  	_ =	swait.ge [sflag:s12], $0x4000  }
0x45: {  	[sflag:s12] =	ssyncset.done $0x0  }
0x46: {  	[sflag:s12] =	ssyncadd.s32 $0xFFFFC000  }
0x47: {  	_ =	swait.ge [sflag:s12], $0x4000  }
0x48: {  	[sflag:s12] =	ssyncset.done $0x0  }
0x49: {  	[sflag:s12] =	ssyncadd.s32 $0xFFFFC000  }
0x4a: {  	[hbm4b:s20+s2] =	stream.linear.scatter [tilespmem:s10], [sflag:$0x2], $0x8000, $0x38;
	[tilespmem:$0x18200] =	vst v63  }
0x4b: {  	_ = 	snop  }
0x4c: {  	[hbm4b:s21+s2] =	stream.linear.scatter [tilespmem:s10], [sflag:$0x2], $0x8000, $0x38;
	[tilespmem:$0x18200] =	vst v63  }
0x4d: {  	_ =	swait.ge [sflag:s4], $0x8000  }
0x4e: {  	[sflag:s4] =	ssyncset.done $0x0  }
0x4f: {  	[sflag:s4] =	ssyncadd.s32 $0xFFFF8000  }
0x50: {  	_ =	swait.ge [sflag:s4], $0x8000  }
0x51: {  	[sflag:s4] =	ssyncset.done $0x0  }
0x52: {  	[sflag:s4] =	ssyncadd.s32 $0xFFFF8000  }
0x53: {  	[tilespmem:s11], [sflag:$0x1] =	stream.indirect.gather [hbm4b:s3+s13], $0x80, s2, s13, $0xb8;
	[tilespmem:$0x18200] =	vst v63  }
0x54: {  	_ = 	snop  }
0x55: {  	[tilespmem:s23], [sflag:$0x1] =	stream.indirect.gather [hbm4b:s3+s13], $0x80, s13, s13, $0xb8;
	[tilespmem:$0x18200] =	vst v63  }
0x56: {  	_ =	swait.ge [sflag:s12], $0x4000  }
0x57: {  	[sflag:s12] =	ssyncset.done $0x0  }
0x58: {  	[sflag:s12] =	ssyncadd.s32 $0xFFFFC000  }
0x59: {  	_ =	swait.ge [sflag:s12], $0x4000  }
0x5a: {  	[sflag:s12] =	ssyncset.done $0x0  }
0x5b: {  	[sflag:s12] =	ssyncadd.s32 $0xFFFFC000  }
0x5c: {  	[hbm4b:s14+s2] =	stream.linear.scatter [tilespmem:s18], [sflag:$0x2], $0x8000, $0x38;
	[tilespmem:$0x18200] =	vst v63  }
0x5d: {  	_ = 	snop  }
0x5e: {  	[hbm4b:s15+s2] =	stream.linear.scatter [tilespmem:s18], [sflag:$0x2], $0x8000, $0x38;
	[tilespmem:$0x18200] =	vst v63  }
0x5f: {  	_ =	swait.ge [sflag:s4], $0x8000  }
0x60: {  	[sflag:s4] =	ssyncset.done $0x0  }
0x61: {  	[sflag:s4] =	ssyncadd.s32 $0xFFFF8000  }
0x62: {  	_ =	swait.ge [sflag:s4], $0x8000  }
0x63: {  	[sflag:s4] =	ssyncset.done $0x0  }
0x64: {  	[sflag:s4] =	ssyncadd.s32 $0xFFFF8000  }
0x65: {  	[tilespmem:s10], [sflag:$0x1] =	stream.indirect.gather [hbm4b:s3+s13], $0x80, s16, s13, $0xb8;
	[tilespmem:$0x18200] =	vst v63  }
0x66: {  	_ = 	snop  }
0x67: {  	[tilespmem:s19], [sflag:$0x1] =	stream.indirect.gather [hbm4b:s3+s13], $0x80, s17, s13, $0xb8;
	[tilespmem:$0x18200] =	vst v63  }
0x68: {  	_ =	swait.ge [sflag:s12], $0x4000  }
0x69: {  	[sflag:s12] =	ssyncset.done $0x0  }
0x6a: {  	[sflag:s12] =	ssyncadd.s32 $0xFFFFC000  }
0x6b: {  	_ =	swait.ge [sflag:s12], $0x4000  }
0x6c: {  	[sflag:s12] =	ssyncset.done $0x0  }
0x6d: {  	[sflag:s12] =	ssyncadd.s32 $0xFFFFC000  }
0x6e: {  	[hbm4b:s7+s2] =	stream.linear.scatter [tilespmem:s11], [sflag:$0x2], $0x8000, $0x38;
	[tilespmem:$0x18200] =	vst v63  }
0x6f: {  	_ = 	snop  }
0x70: {  	[hbm4b:s8+s2] =	stream.linear.scatter [tilespmem:s11], [sflag:$0x2], $0x8000, $0x38;
	[tilespmem:$0x18200] =	vst v63  }
0x71: {  	_ =	swait.ge [sflag:s12], $0x4000  }
0x72: {  	[sflag:s12] =	ssyncset.done $0x0  }
0x73: {  	[sflag:s12] =	ssyncadd.s32 $0xFFFFC000  }
0x74: {  	_ =	swait.ge [sflag:s12], $0x4000  }
0x75: {  	[sflag:s12] =	ssyncset.done $0x0  }
0x76: {  	[sflag:s12] =	ssyncadd.s32 $0xFFFFC000  }
0x77: {  	[hbm4b:s5+s2] =	stream.linear.scatter [tilespmem:s10], [sflag:$0x2], $0x8000, $0x38;
	[tilespmem:$0x18200] =	vst v63  }
0x78: {  	_ = 	snop  }
0x79: {  	[hbm4b:s6+s2] =	stream.linear.scatter [tilespmem:s10], [sflag:$0x2], $0x8000, $0x38;
	[tilespmem:$0x18200] =	vst v63  }
0x7a: {  	_ =	swait.ge [sflag:s4], $0x8000  }
0x7b: {  	[sflag:s4] =	ssyncset.done $0x0  }
0x7c: {  	[sflag:s4] =	ssyncadd.s32 $0xFFFF8000  }
0x7d: {  	_ =	swait.ge [sflag:s4], $0x8000  }
0x7e: {  	[sflag:s4] =	ssyncset.done $0x0  }
0x7f: {  	[sflag:s4] =	ssyncadd.s32 $0xFFFF8000  }
0x80: {  	_ =	swait.ge [sflag:s4], $0x8000  }
0x81: {  	[sflag:s4] =	ssyncset.done $0x0  }
0x82: {  	[sflag:s4] =	ssyncadd.s32 $0xFFFF8000  }
0x83: {  	_ =	swait.ge [sflag:s4], $0x8000  }
0x84: {  	[sflag:s4] =	ssyncset.done $0x0  }
0x85: {  	p1 =	sne.s32 s31, $0x1;
	[sflag:s4] =	ssyncadd.s32 $0xFFFF8000  }
.Ltmp1:
0x86: {  	_ =	swait.ge [sflag:s4], $0x8000;
	(pc) =	sbr.rel @!p1 .LBB2_3-.Ltmp1, $4  }
0x87: {  	[sflag:s4] =	ssyncset.done $0x0  }
0x88: {  	[sflag:s4] =	ssyncadd.s32 $0xFFFF8000  }
0x89: {  	s31 =	sadd.s32 $0xFFFFFFFF, s31;
	_ =	swait.ge [sflag:s4], $0x8000  }
0x8a: {  	p0 =	por $0x1, $0x1;
	s1 =	rddreg [dreg:$0xb];
	[sflag:s4] =	ssyncset.done $0x0  }
.LBB2_2:
0x8b: {  	[sflag:s4] =	ssyncadd.s32 $0xFFFF8000  }
0x8c: {  	[tilespmem:s2], [sflag:$0x3] =	stream.linear.gather [hbm4b:s1+s2], $0x200, $0x38;
	[tilespmem:$0x18200] =	vst v63  }
0x8d: {  	_ =	swait.ge [sflag:s30], $0x200  }
0x8e: {  	[sflag:s30] =	ssyncset.done $0x0  }
0x8f: {  	[sflag:s30] =	ssyncadd.s32 $0xFFFFFE00  }
0x90: {  	[tilespmem:s18], [sflag:$0x1] =	stream.indirect.gather [hbm4b:s22+s13], $0x80, s2, s13, $0xb8;
	[tilespmem:$0x18200] =	vst v63  }
0x91: {  	_ = 	snop  }
0x92: {  	[tilespmem:s26], [sflag:$0x1] =	stream.indirect.gather [hbm4b:s22+s13], $0x80, s13, s13, $0xb8;
	[tilespmem:$0x18200] =	vst v63  }
0x93: {  	_ = 	snop  }
0x94: {  	[tilespmem:s11], [sflag:$0x1] =	stream.indirect.gather [hbm4b:s22+s13], $0x80, s16, s13, $0xb8;
	[tilespmem:$0x18200] =	vst v63  }
0x95: {  	_ = 	snop  }
0x96: {  	[tilespmem:s23], [sflag:$0x1] =	stream.indirect.gather [hbm4b:s22+s13], $0x80, s17, s13, $0xb8;
	[tilespmem:$0x18200] =	vst v63  }
0x97: {  	_ =	swait.ge [sflag:s12], $0x4000  }
0x98: {  	[sflag:s12] =	ssyncset.done $0x0  }
0x99: {  	[sflag:s12] =	ssyncadd.s32 $0xFFFFC000  }
0x9a: {  	_ =	swait.ge [sflag:s12], $0x4000  }
0x9b: {  	[sflag:s12] =	ssyncset.done $0x0  }
0x9c: {  	[sflag:s12] =	ssyncadd.s32 $0xFFFFC000  }
0x9d: {  	[hbm4b:s28+s2] =	stream.linear.scatter [tilespmem:s18], [sflag:$0x2], $0x8000, $0x38;
	[tilespmem:$0x18200] =	vst v63  }
0x9e: {  	_ = 	snop  }
0x9f: {  	[hbm4b:s29+s2] =	stream.linear.scatter [tilespmem:s18], [sflag:$0x2], $0x8000, $0x38;
	[tilespmem:$0x18200] =	vst v63  }
0xa0: {  	_ = 	snop  }
0xa1: {  	[tilespmem:s10], [sflag:$0x1] =	stream.indirect.gather [hbm4b:s9+s13], $0x80, s2, s13, $0xb8;
	[tilespmem:$0x18200] =	vst v63  }
0xa2: {  	_ = 	snop  }
0xa3: {  	[tilespmem:s19], [sflag:$0x1] =	stream.indirect.gather [hbm4b:s9+s13], $0x80, s13, s13, $0xb8;
	[tilespmem:$0x18200] =	vst v63  }
0xa4: {  	_ =	swait.ge [sflag:s12], $0x4000  }
0xa5: {  	[sflag:s12] =	ssyncset.done $0x0  }
0xa6: {  	[sflag:s12] =	ssyncadd.s32 $0xFFFFC000  }
0xa7: {  	_ =	swait.ge [sflag:s12], $0x4000  }
0xa8: {  	[sflag:s12] =	ssyncset.done $0x0  }
0xa9: {  	[sflag:s12] =	ssyncadd.s32 $0xFFFFC000  }
0xaa: {  	[hbm4b:s24+s2] =	stream.linear.scatter [tilespmem:s11], [sflag:$0x2], $0x8000, $0x38;
	[tilespmem:$0x18200] =	vst v63  }
0xab: {  	_ = 	snop  }
0xac: {  	[hbm4b:s25+s2] =	stream.linear.scatter [tilespmem:s11], [sflag:$0x2], $0x8000, $0x38;
	[tilespmem:$0x18200] =	vst v63  }
0xad: {  	_ =	swait.ge [sflag:s4], $0x8000  }
0xae: {  	[sflag:s4] =	ssyncset.done $0x0  }
0xaf: {  	[sflag:s4] =	ssyncadd.s32 $0xFFFF8000  }
0xb0: {  	_ =	swait.ge [sflag:s4], $0x8000  }
0xb1: {  	[sflag:s4] =	ssyncset.done $0x0  }
0xb2: {  	[sflag:s4] =	ssyncadd.s32 $0xFFFF8000  }
0xb3: {  	[tilespmem:s18], [sflag:$0x1] =	stream.indirect.gather [hbm4b:s9+s13], $0x80, s16, s13, $0xb8;
	[tilespmem:$0x18200] =	vst v63  }
0xb4: {  	_ = 	snop  }
0xb5: {  	[tilespmem:s26], [sflag:$0x1] =	stream.indirect.gather [hbm4b:s9+s13], $0x80, s17, s13, $0xb8;
	[tilespmem:$0x18200] =	vst v63  }
0xb6: {  	_ =	swait.ge [sflag:s12], $0x4000  }
0xb7: {  	[sflag:s12] =	ssyncset.done $0x0  }
0xb8: {  	[sflag:s12] =	ssyncadd.s32 $0xFFFFC000  }
0xb9: {  	_ =	swait.ge [sflag:s12], $0x4000  }
0xba: {  	[sflag:s12] =	ssyncset.done $0x0  }
0xbb: {  	[sflag:s12] =	ssyncadd.s32 $0xFFFFC000  }
0xbc: {  	[hbm4b:s20+s2] =	stream.linear.scatter [tilespmem:s10], [sflag:$0x2], $0x8000, $0x38;
	[tilespmem:$0x18200] =	vst v63  }
0xbd: {  	_ = 	snop  }
0xbe: {  	[hbm4b:s21+s2] =	stream.linear.scatter [tilespmem:s10], [sflag:$0x2], $0x8000, $0x38;
	[tilespmem:$0x18200] =	vst v63  }
0xbf: {  	_ =	swait.ge [sflag:s4], $0x8000  }
0xc0: {  	[sflag:s4] =	ssyncset.done $0x0  }
0xc1: {  	[sflag:s4] =	ssyncadd.s32 $0xFFFF8000  }
0xc2: {  	_ =	swait.ge [sflag:s4], $0x8000  }
0xc3: {  	[sflag:s4] =	ssyncset.done $0x0  }
0xc4: {  	[sflag:s4] =	ssyncadd.s32 $0xFFFF8000  }
0xc5: {  	[tilespmem:s11], [sflag:$0x1] =	stream.indirect.gather [hbm4b:s3+s13], $0x80, s2, s13, $0xb8;
	[tilespmem:$0x18200] =	vst v63  }
0xc6: {  	_ = 	snop  }
0xc7: {  	[tilespmem:s23], [sflag:$0x1] =	stream.indirect.gather [hbm4b:s3+s13], $0x80, s13, s13, $0xb8;
	[tilespmem:$0x18200] =	vst v63  }
0xc8: {  	_ =	swait.ge [sflag:s12], $0x4000  }
0xc9: {  	[sflag:s12] =	ssyncset.done $0x0  }
0xca: {  	[sflag:s12] =	ssyncadd.s32 $0xFFFFC000  }
0xcb: {  	_ =	swait.ge [sflag:s12], $0x4000  }
0xcc: {  	[sflag:s12] =	ssyncset.done $0x0  }
0xcd: {  	[sflag:s12] =	ssyncadd.s32 $0xFFFFC000  }
0xce: {  	[hbm4b:s14+s2] =	stream.linear.scatter [tilespmem:s18], [sflag:$0x2], $0x8000, $0x38;
	[tilespmem:$0x18200] =	vst v63  }
0xcf: {  	_ = 	snop  }
0xd0: {  	[hbm4b:s15+s2] =	stream.linear.scatter [tilespmem:s18], [sflag:$0x2], $0x8000, $0x38;
	[tilespmem:$0x18200] =	vst v63  }
0xd1: {  	_ =	swait.ge [sflag:s4], $0x8000  }
0xd2: {  	[sflag:s4] =	ssyncset.done $0x0  }
0xd3: {  	[sflag:s4] =	ssyncadd.s32 $0xFFFF8000  }
0xd4: {  	_ =	swait.ge [sflag:s4], $0x8000  }
0xd5: {  	[sflag:s4] =	ssyncset.done $0x0  }
0xd6: {  	[sflag:s4] =	ssyncadd.s32 $0xFFFF8000  }
0xd7: {  	[tilespmem:s10], [sflag:$0x1] =	stream.indirect.gather [hbm4b:s3+s13], $0x80, s16, s13, $0xb8;
	[tilespmem:$0x18200] =	vst v63  }
0xd8: {  	_ = 	snop  }
0xd9: {  	[tilespmem:s19], [sflag:$0x1] =	stream.indirect.gather [hbm4b:s3+s13], $0x80, s17, s13, $0xb8;
	[tilespmem:$0x18200] =	vst v63  }
0xda: {  	_ =	swait.ge [sflag:s12], $0x4000  }
0xdb: {  	[sflag:s12] =	ssyncset.done $0x0  }
0xdc: {  	[sflag:s12] =	ssyncadd.s32 $0xFFFFC000  }
0xdd: {  	_ =	swait.ge [sflag:s12], $0x4000  }
0xde: {  	[sflag:s12] =	ssyncset.done $0x0  }
0xdf: {  	[sflag:s12] =	ssyncadd.s32 $0xFFFFC000  }
0xe0: {  	[hbm4b:s7+s2] =	stream.linear.scatter [tilespmem:s11], [sflag:$0x2], $0x8000, $0x38;
	[tilespmem:$0x18200] =	vst v63  }
0xe1: {  	_ = 	snop  }
0xe2: {  	[hbm4b:s8+s2] =	stream.linear.scatter [tilespmem:s11], [sflag:$0x2], $0x8000, $0x38;
	[tilespmem:$0x18200] =	vst v63  }
0xe3: {  	_ =	swait.ge [sflag:s12], $0x4000  }
0xe4: {  	[sflag:s12] =	ssyncset.done $0x0  }
0xe5: {  	[sflag:s12] =	ssyncadd.s32 $0xFFFFC000  }
0xe6: {  	_ =	swait.ge [sflag:s12], $0x4000  }
0xe7: {  	[sflag:s12] =	ssyncset.done $0x0  }
0xe8: {  	[sflag:s12] =	ssyncadd.s32 $0xFFFFC000  }
0xe9: {  	[hbm4b:s5+s2] =	stream.linear.scatter [tilespmem:s10], [sflag:$0x2], $0x8000, $0x38;
	[tilespmem:$0x18200] =	vst v63  }
0xea: {  	_ = 	snop  }
0xeb: {  	[hbm4b:s6+s2] =	stream.linear.scatter [tilespmem:s10], [sflag:$0x2], $0x8000, $0x38;
	[tilespmem:$0x18200] =	vst v63  }
0xec: {  	_ =	swait.ge [sflag:s4], $0x8000  }
0xed: {  	[sflag:s4] =	ssyncset.done $0x0  }
0xee: {  	[sflag:s4] =	ssyncadd.s32 $0xFFFF8000  }
0xef: {  	_ =	swait.ge [sflag:s4], $0x8000  }
0xf0: {  	[sflag:s4] =	ssyncset.done $0x0  }
0xf1: {  	[sflag:s4] =	ssyncadd.s32 $0xFFFF8000  }
0xf2: {  	_ =	swait.ge [sflag:s4], $0x8000  }
0xf3: {  	[sflag:s4] =	ssyncset.done $0x0  }
0xf4: {  	[sflag:s4] =	ssyncadd.s32 $0xFFFF8000  }
0xf5: {  	_ =	swait.ge [sflag:s4], $0x8000  }
0xf6: {  	[sflag:s4] =	ssyncset.done $0x0  }
0xf7: {  	p1 =	sne.s32 s31, $0x1;
	[sflag:s4] =	ssyncadd.s32 $0xFFFF8000  }
.Ltmp2:
0xf8: {  	_ =	swait.ge [sflag:s4], $0x8000;
	(pc) =	sbr.rel @p1 .LBB2_2-.Ltmp2, $4  }
0xf9: {  	[sflag:s4] =	ssyncset.done $0x0  }
0xfa: {  	[sflag:s4] =	ssyncadd.s32 $0xFFFF8000  }
0xfb: {  	_ =	swait.ge [sflag:s4], $0x8000  }
0xfc: {  	s31 =	sadd.s32 $0xFFFFFFFF, s31;
	s1 =	rddreg [dreg:$0xb];
	[sflag:s4] =	ssyncset.done $0x0  }
.LBB2_3:
0xfd: {  	[sflag:s4] =	ssyncadd.s32 @p0 $0xFFFF8000  }
0xfe: {  	[tilespmem:s2], [sflag:$0x3] =	stream.linear.gather [hbm4b:s1+s2], $0x200, $0x38;
	[tilespmem:$0x18200] =	vst v63  }
0xff: {  	_ =	swait.ge [sflag:s30], $0x200  }
0x100: {  	[sflag:s30] =	ssyncset.done $0x0  }
0x101: {  	[sflag:s30] =	ssyncadd.s32 $0xFFFFFE00  }
0x102: {  	[tilespmem:s18], [sflag:$0x1] =	stream.indirect.gather [hbm4b:s22+s13], $0x80, s2, s13, $0xb8;
	[tilespmem:$0x18200] =	vst v63  }
0x103: {  	_ = 	snop  }
0x104: {  	[tilespmem:s26], [sflag:$0x1] =	stream.indirect.gather [hbm4b:s22+s13], $0x80, s13, s13, $0xb8;
	[tilespmem:$0x18200] =	vst v63  }
0x105: {  	_ = 	snop  }
0x106: {  	[tilespmem:s11], [sflag:$0x1] =	stream.indirect.gather [hbm4b:s22+s13], $0x80, s16, s13, $0xb8;
	[tilespmem:$0x18200] =	vst v63  }
0x107: {  	_ = 	snop  }
0x108: {  	[tilespmem:s23], [sflag:$0x1] =	stream.indirect.gather [hbm4b:s22+s13], $0x80, s17, s13, $0xb8;
	[tilespmem:$0x18200] =	vst v63  }
0x109: {  	_ =	swait.ge [sflag:s12], $0x4000  }
0x10a: {  	[sflag:s12] =	ssyncset.done $0x0  }
0x10b: {  	[sflag:s12] =	ssyncadd.s32 $0xFFFFC000  }
0x10c: {  	_ =	swait.ge [sflag:s12], $0x4000  }
0x10d: {  	[sflag:s12] =	ssyncset.done $0x0  }
0x10e: {  	[sflag:s12] =	ssyncadd.s32 $0xFFFFC000  }
0x10f: {  	[hbm4b:s28+s2] =	stream.linear.scatter [tilespmem:s18], [sflag:$0x2], $0x8000, $0x38;
	[tilespmem:$0x18200] =	vst v63  }
0x110: {  	_ = 	snop  }
0x111: {  	[hbm4b:s29+s2] =	stream.linear.scatter [tilespmem:s18], [sflag:$0x2], $0x8000, $0x38;
	[tilespmem:$0x18200] =	vst v63  }
0x112: {  	_ = 	snop  }
0x113: {  	[tilespmem:s10], [sflag:$0x1] =	stream.indirect.gather [hbm4b:s9+s13], $0x80, s2, s13, $0xb8;
	[tilespmem:$0x18200] =	vst v63  }
0x114: {  	_ = 	snop  }
0x115: {  	[tilespmem:s19], [sflag:$0x1] =	stream.indirect.gather [hbm4b:s9+s13], $0x80, s13, s13, $0xb8;
	[tilespmem:$0x18200] =	vst v63  }
0x116: {  	_ =	swait.ge [sflag:s12], $0x4000  }
0x117: {  	[sflag:s12] =	ssyncset.done $0x0  }
0x118: {  	[sflag:s12] =	ssyncadd.s32 $0xFFFFC000  }
0x119: {  	_ =	swait.ge [sflag:s12], $0x4000  }
0x11a: {  	[sflag:s12] =	ssyncset.done $0x0  }
0x11b: {  	[sflag:s12] =	ssyncadd.s32 $0xFFFFC000  }
0x11c: {  	[hbm4b:s24+s2] =	stream.linear.scatter [tilespmem:s11], [sflag:$0x2], $0x8000, $0x38;
	[tilespmem:$0x18200] =	vst v63  }
0x11d: {  	_ = 	snop  }
0x11e: {  	[hbm4b:s25+s2] =	stream.linear.scatter [tilespmem:s11], [sflag:$0x2], $0x8000, $0x38;
	[tilespmem:$0x18200] =	vst v63  }
0x11f: {  	_ =	swait.ge [sflag:s4], $0x8000  }
0x120: {  	[sflag:s4] =	ssyncset.done $0x0  }
0x121: {  	[sflag:s4] =	ssyncadd.s32 $0xFFFF8000  }
0x122: {  	_ =	swait.ge [sflag:s4], $0x8000  }
0x123: {  	[sflag:s4] =	ssyncset.done $0x0  }
0x124: {  	[sflag:s4] =	ssyncadd.s32 $0xFFFF8000  }
0x125: {  	[tilespmem:s18], [sflag:$0x1] =	stream.indirect.gather [hbm4b:s9+s13], $0x80, s16, s13, $0xb8;
	[tilespmem:$0x18200] =	vst v63  }
0x126: {  	_ = 	snop  }
0x127: {  	[tilespmem:s26], [sflag:$0x1] =	stream.indirect.gather [hbm4b:s9+s13], $0x80, s17, s13, $0xb8;
	[tilespmem:$0x18200] =	vst v63  }
0x128: {  	_ =	swait.ge [sflag:s12], $0x4000  }
0x129: {  	[sflag:s12] =	ssyncset.done $0x0  }
0x12a: {  	[sflag:s12] =	ssyncadd.s32 $0xFFFFC000  }
0x12b: {  	_ =	swait.ge [sflag:s12], $0x4000  }
0x12c: {  	[sflag:s12] =	ssyncset.done $0x0  }
0x12d: {  	[sflag:s12] =	ssyncadd.s32 $0xFFFFC000  }
0x12e: {  	[hbm4b:s20+s2] =	stream.linear.scatter [tilespmem:s10], [sflag:$0x2], $0x8000, $0x38;
	[tilespmem:$0x18200] =	vst v63  }
0x12f: {  	_ = 	snop  }
0x130: {  	[hbm4b:s21+s2] =	stream.linear.scatter [tilespmem:s10], [sflag:$0x2], $0x8000, $0x38;
	[tilespmem:$0x18200] =	vst v63  }
0x131: {  	_ =	swait.ge [sflag:s4], $0x8000  }
0x132: {  	[sflag:s4] =	ssyncset.done $0x0  }
0x133: {  	[sflag:s4] =	ssyncadd.s32 $0xFFFF8000  }
0x134: {  	_ =	swait.ge [sflag:s4], $0x8000  }
0x135: {  	[sflag:s4] =	ssyncset.done $0x0  }
0x136: {  	[sflag:s4] =	ssyncadd.s32 $0xFFFF8000  }
0x137: {  	[tilespmem:s11], [sflag:$0x1] =	stream.indirect.gather [hbm4b:s3+s13], $0x80, s2, s13, $0xb8;
	[tilespmem:$0x18200] =	vst v63  }
0x138: {  	_ = 	snop  }
0x139: {  	[tilespmem:s23], [sflag:$0x1] =	stream.indirect.gather [hbm4b:s3+s13], $0x80, s13, s13, $0xb8;
	[tilespmem:$0x18200] =	vst v63  }
0x13a: {  	_ =	swait.ge [sflag:s12], $0x4000  }
0x13b: {  	[sflag:s12] =	ssyncset.done $0x0  }
0x13c: {  	[sflag:s12] =	ssyncadd.s32 $0xFFFFC000  }
0x13d: {  	_ =	swait.ge [sflag:s12], $0x4000  }
0x13e: {  	[sflag:s12] =	ssyncset.done $0x0  }
0x13f: {  	[sflag:s12] =	ssyncadd.s32 $0xFFFFC000  }
0x140: {  	[hbm4b:s14+s2] =	stream.linear.scatter [tilespmem:s18], [sflag:$0x2], $0x8000, $0x38;
	[tilespmem:$0x18200] =	vst v63  }
0x141: {  	_ = 	snop  }
0x142: {  	[hbm4b:s15+s2] =	stream.linear.scatter [tilespmem:s18], [sflag:$0x2], $0x8000, $0x38;
	[tilespmem:$0x18200] =	vst v63  }
0x143: {  	_ =	swait.ge [sflag:s4], $0x8000  }
0x144: {  	[sflag:s4] =	ssyncset.done $0x0  }
0x145: {  	[sflag:s4] =	ssyncadd.s32 $0xFFFF8000  }
0x146: {  	_ =	swait.ge [sflag:s4], $0x8000  }
0x147: {  	[sflag:s4] =	ssyncset.done $0x0  }
0x148: {  	[sflag:s4] =	ssyncadd.s32 $0xFFFF8000  }
0x149: {  	[tilespmem:s10], [sflag:$0x1] =	stream.indirect.gather [hbm4b:s3+s13], $0x80, s16, s13, $0xb8;
	[tilespmem:$0x18200] =	vst v63  }
0x14a: {  	_ = 	snop  }
0x14b: {  	[tilespmem:s19], [sflag:$0x1] =	stream.indirect.gather [hbm4b:s3+s13], $0x80, s17, s13, $0xb8;
	[tilespmem:$0x18200] =	vst v63  }
0x14c: {  	_ =	swait.ge [sflag:s12], $0x4000  }
0x14d: {  	[sflag:s12] =	ssyncset.done $0x0  }
0x14e: {  	[sflag:s12] =	ssyncadd.s32 $0xFFFFC000  }
0x14f: {  	_ =	swait.ge [sflag:s12], $0x4000  }
0x150: {  	[sflag:s12] =	ssyncset.done $0x0  }
0x151: {  	[sflag:s12] =	ssyncadd.s32 $0xFFFFC000  }
0x152: {  	[hbm4b:s7+s2] =	stream.linear.scatter [tilespmem:s11], [sflag:$0x2], $0x8000, $0x38;
	[tilespmem:$0x18200] =	vst v63  }
0x153: {  	_ = 	snop  }
0x154: {  	[hbm4b:s8+s2] =	stream.linear.scatter [tilespmem:s11], [sflag:$0x2], $0x8000, $0x38;
	[tilespmem:$0x18200] =	vst v63  }
0x155: {  	_ =	swait.ge [sflag:s12], $0x4000  }
0x156: {  	[sflag:s12] =	ssyncset.done $0x0  }
0x157: {  	[sflag:s12] =	ssyncadd.s32 $0xFFFFC000  }
0x158: {  	_ =	swait.ge [sflag:s12], $0x4000  }
0x159: {  	[sflag:s12] =	ssyncset.done $0x0  }
0x15a: {  	[sflag:s12] =	ssyncadd.s32 $0xFFFFC000  }
0x15b: {  	[hbm4b:s5+s2] =	stream.linear.scatter [tilespmem:s10], [sflag:$0x2], $0x8000, $0x38;
	[tilespmem:$0x18200] =	vst v63  }
0x15c: {  	_ = 	snop  }
0x15d: {  	[hbm4b:s6+s2] =	stream.linear.scatter [tilespmem:s10], [sflag:$0x2], $0x8000, $0x38;
	[tilespmem:$0x18200] =	vst v63  }
0x15e: {  	_ =	swait.ge [sflag:s4], $0x8000  }
0x15f: {  	[sflag:s4] =	ssyncset.done $0x0  }
0x160: {  	[sflag:s4] =	ssyncadd.s32 $0xFFFF8000  }
0x161: {  	_ =	swait.ge [sflag:s4], $0x8000  }
0x162: {  	[sflag:s4] =	ssyncset.done $0x0  }
0x163: {  	[sflag:s4] =	ssyncadd.s32 $0xFFFF8000  }
0x164: {  	_ =	swait.ge [sflag:s4], $0x8000  }
0x165: {  	[sflag:s4] =	ssyncset.done $0x0  }
0x166: {  	[sflag:s4] =	ssyncadd.s32 $0xFFFF8000  }
0x167: {  	_ =	swait.ge [sflag:s4], $0x8000  }
0x168: {  	[sflag:s4] =	ssyncset.done $0x0  }
0x169: {  	[sflag:s4] =	ssyncadd.s32 $0xFFFF8000  }
0x16a: {  	_ =	swait.ge [sflag:s4], $0x8000  }
0x16b: {  	[sflag:s4] =	ssyncset.done $0x0  }
0x16c: {  	[sflag:s4] =	ssyncadd.s32 $0xFFFF8000  }
0x16d: {  	_ =	swait.ge [sflag:s4], $0x8000  }
0x16e: {  	[sflag:s4] =	ssyncset.done $0x0  }
0x16f: {  	[sflag:s4] =	ssyncadd.s32 $0xFFFF8000  }
0x170: {  	_ =	sfence.sel $0x180000  }
0x171: {  	[bflag:$0x0] =	sbarrier.arrive $0xFFFF  }
0x172: {  	_ =	strace $0x90000047  }
0x173: {  	[bflag:$0x2] =	sbarrier.arrive $0xFFFF  }
0x174: {  	p0 =	sne.s32 s0, $0x0;
	s0 =	rddreg [dreg:$0xa]  }
0x175: {  	s0 =	sadd.s32 @!p0 $0x100000, s0  }
0x176: {  	[sflag:s0] =	ssyncadd.tile.s32 @!p0 $0x1;
	_ =	shalt  }
.Lfunc_end2:
_tile_overlayer_lowered:
.L_overlay_start_2:
0x177: {  	(tag) =	ssettag $0x2  }
0x178: {  	s0 =	rddreg [dreg:$0x0];
	s2 =	stileid.u32  }
0x179: {  	s1 =	rddreg [dreg:$0x1];
	p0 =	sne.s32 s2, $0x0  }
0x17a: {  	s3 =	rddreg [dreg:$0x2];
	[bflag:$0x3] =	sbarrier.arrive $0xFFFF;
	s2 =	simm.s32 @!p0 $0x1C03  }
0x17b: {  	[timem:s3], [sflag:s2] =	dma.local @!p0 [hbm:s0], s1  }
0x17c: {  	s0 =	simm.s32 @!p0 $0x3  }
0x17d: {  	_ =	swait.ge @!p0 [sflag:s0], s1  }
0x17e: {  	s1 =	ssub.s32 @!p0 $0x0, s1;
	[sflag:s0] =	ssyncset.done @!p0 $0x0  }
0x17f: {  	[sflag:s0] =	ssyncadd.s32 @!p0 s1  }
0x180: {  	[bflag:$0x3] =	sbarrier.arrive $0xFFFF  }
0x181: {  	_ =	shalt  }

</sc_bundles>
